<compile_context>
chip_gen: v7x
topology: tpu7x:2x2x1
jax: 0.10.2.dev20260603
libtpu: 0.0.44.dev20260713+nightly
codegen_flags: <defaults>
</compile_context>

<pallas_src>
import functools

import jax
import jax.numpy as jnp
from jax import lax
from jax.experimental import pallas as pl
from jax.experimental.pallas import tpu as pltpu
from jax.experimental.pallas import tpu_sc as plsc

NC = 2
NS = 16
CHUNK = 128
RZ = 40


def _sc_gather_body(nchunks, h0, vi, hv_out,
                    vi_t, vi_r, hv_v0, hv_v1, gs0, gs1):
    c = lax.axis_index("c")
    s = lax.axis_index("s")
    wid = c * NS + s
    nw = NC * NS
    rounds = nchunks // nw
    rem = nchunks - rounds * nw
    tbase = wid * rounds * CHUNK

    pltpu.sync_copy(vi.at[pl.ds(tbase, rounds * CHUNK)], vi_t)
    bufs = ((hv_v0, gs0), (hv_v1, gs1))

    def idx_slice(k):
        return vi_t.at[pl.ds(k * CHUNK, CHUNK)]

    def start_gather(b, k):
        hvv, gs = b
        pltpu.async_copy(h0.at[idx_slice(k)], hvv, gs)

    def wait_gather(b, k):
        hvv, gs = b
        pltpu.make_async_copy(h0.at[idx_slice(k)], hvv, gs).wait()

    def write_out(b, k):
        hvv, gs = b
        off = tbase + k * CHUNK
        pltpu.sync_copy(hvv, hv_out.at[pl.ds(off, CHUNK)])

    start_gather(bufs[0], 0)
    npairs = rounds // 2

    def pbody(j, carry):
        k0 = 2 * j
        wait_gather(bufs[0], k0)
        start_gather(bufs[1], k0 + 1)
        write_out(bufs[0], k0)
        wait_gather(bufs[1], k0 + 1)

        @pl.when(k0 + 2 < rounds)
        def _():
            start_gather(bufs[0], k0 + 2)

        write_out(bufs[1], k0 + 1)
        return carry

    lax.fori_loop(0, npairs, pbody, 0)
    if rounds % 2 == 1:
        wait_gather(bufs[0], rounds - 1)
        write_out(bufs[0], rounds - 1)

    @pl.when(wid < rem)
    def _():
        hvv, gs = bufs[0]
        off = (rounds * nw + wid) * CHUNK
        pltpu.sync_copy(vi.at[pl.ds(off, CHUNK)], vi_r)
        pltpu.async_copy(h0.at[vi_r], hvv, gs)
        pltpu.make_async_copy(h0.at[vi_r], hvv, gs).wait()
        pltpu.sync_copy(hvv, hv_out.at[pl.ds(off, CHUNK)])


def _sc_gather(h0, vi):
    n, d = h0.shape
    e = vi.shape[0]
    assert e % CHUNK == 0
    nchunks = e // CHUNK
    rounds = nchunks // (NC * NS)
    mesh = plsc.VectorSubcoreMesh(core_axis_name="c", subcore_axis_name="s")
    return pl.kernel(
        functools.partial(_sc_gather_body, nchunks),
        out_type=jax.ShapeDtypeStruct((e, d), jnp.float32),
        mesh=mesh,
        scratch_types=[
            pltpu.VMEM((rounds * CHUNK,), jnp.int32),
            pltpu.VMEM((CHUNK,), jnp.int32),
            pltpu.VMEM((CHUNK, d), jnp.float32),
            pltpu.VMEM((CHUNK, d), jnp.float32),
            pltpu.SemaphoreType.DMA,
            pltpu.SemaphoreType.DMA,
        ],
    )(h0, vi)


NPT = 320


def _sc_seg_body(nchunks, msg, vj, sums_out, cnts_out,
                 vj_v, mbuf, probe, acc, acc16):
    c = lax.axis_index("c")
    s = lax.axis_index("s")
    wid = c * NS + s
    n0 = wid * NPT
    iota16 = lax.iota(jnp.int32, 16)

    def first_chunk_ge(target):
        def step(_, lohi):
            lo, hi = lohi
            done = lo >= hi
            mid = jnp.minimum((lo + hi) // 2, nchunks - 1)
            pltpu.sync_copy(vj.at[pl.ds(mid * CHUNK, 16)], probe)
            v = probe[...][0]
            cond = v >= target
            hi2 = jnp.where(done, hi, jnp.where(cond, mid, hi))
            lo2 = jnp.where(done, lo, jnp.where(cond, lo, mid + 1))
            return (lo2, hi2)

        nsteps = max(nchunks.bit_length(), 1)
        lo, _ = lax.fori_loop(0, nsteps, step,
                              (jnp.int32(0), jnp.int32(nchunks)))
        return lo

    c0 = jnp.maximum(first_chunk_ge(n0) - 1, 0)
    c1 = first_chunk_ge(n0 + NPT)

    @plsc.parallel_loop(0, NPT, unroll=4)
    def zacc(i):
        for dc in range(8):
            acc[i, pl.ds(dc * 16, 16)] = jnp.zeros((16,), jnp.float32)
        acc16[i, :] = jnp.zeros((16,), jnp.float32)
    ones16 = jnp.full((16,), 1.0, jnp.float32)

    def do_chunk(ci, carry):
        off = ci * CHUNK
        pltpu.sync_copy(vj.at[pl.ds(off, CHUNK)], vj_v.at[pl.ds(0, CHUNK)])
        pltpu.sync_copy(msg.at[pl.ds(off, CHUNK)], mbuf)

        @plsc.parallel_loop(0, CHUNK, unroll=8)
        def edge(e2):
            sv = vj_v[pl.ds(e2, 16)][0]
            rvb = jax.lax.broadcast(sv - n0, (16,))
            mask = (rvb >= 0) & (rvb < NPT)
            rvc = jnp.maximum(jnp.minimum(rvb, NPT - 1), 0)
            for dc in range(8):
                vals = mbuf[e2, pl.ds(dc * 16, 16)]
                plsc.addupdate_scatter(acc, [rvc, dc * 16 + iota16], vals,
                                       mask=mask)
            plsc.addupdate_scatter(acc16, [rvc, iota16], ones16, mask=mask)

        return carry

    lax.fori_loop(c0, c1, do_chunk, 0)

    pltpu.sync_copy(acc, sums_out.at[pl.ds(n0, NPT)])
    pltpu.sync_copy(acc16, cnts_out.at[pl.ds(n0, NPT)])


def _sc_segment(msg, vj):
    e, d = msg.shape
    nchunks = e // CHUNK
    npad = NC * NS * NPT
    mesh = plsc.VectorSubcoreMesh(core_axis_name="c", subcore_axis_name="s")
    return pl.kernel(
        functools.partial(_sc_seg_body, nchunks),
        out_type=[jax.ShapeDtypeStruct((npad, d), jnp.float32),
                  jax.ShapeDtypeStruct((npad, 16), jnp.float32)],
        mesh=mesh,
        compiler_params=pltpu.CompilerParams(needs_layout_passes=False),
        scratch_types=[
            pltpu.VMEM((CHUNK + 16,), jnp.int32),
            pltpu.VMEM((CHUNK, d), jnp.float32),
            pltpu.VMEM((16,), jnp.int32),
            pltpu.VMEM((NPT, d), jnp.float32),
            pltpu.VMEM((NPT, 16), jnp.float32),
        ],
    )(msg, vj)


def _tc_edge_body(hv, rel_b, ey, remb, ws, fb, w, gb, out):
    nrel = remb.shape[0]
    be = hv.shape[0]
    hvf = hv[...].astype(jnp.float32)
    r_ids = rel_b[...]
    riota = jax.lax.broadcasted_iota(jnp.int32, (be, nrel), 1)
    onehot = (riota == r_ids).astype(jnp.float32)
    rv = jnp.dot(onehot, remb[...], preferred_element_type=jnp.float32)
    eyv = ey[...]
    w12 = ws[1:2, :] + ws[2:3, :] * eyv
    pre = hvf * (ws[0:1, :] + rv * w12) + fb[...]
    msg = jnp.tanh(pre)
    mm = jnp.dot(msg, w[...], preferred_element_type=jnp.float32)
    out[...] = msg + jnp.tanh(mm + gb[...])


def _tc_edge(hv, rel_b, ey, remb, ws, fb, w, gb, block_e=2000):
    e, d = hv.shape
    nrel = remb.shape[0]
    assert e % block_e == 0
    grid = (e // block_e,)
    full = lambda shp: pl.BlockSpec(shp, lambda i: (0,) * len(shp))
    return pl.pallas_call(
        _tc_edge_body,
        grid=grid,
        in_specs=[
            pl.BlockSpec((block_e, d), lambda i: (i, 0)),
            pl.BlockSpec((block_e, 1), lambda i: (i, 0)),
            pl.BlockSpec((block_e, 1), lambda i: (i, 0)),
            full((nrel, d)),
            full((3, d)),
            full((1, d)),
            full((d, d)),
            full((1, d)),
        ],
        out_specs=pl.BlockSpec((block_e, d), lambda i: (i, 0)),
        out_shape=jax.ShapeDtypeStruct((e, d), jnp.float32),
    )(hv, rel_b, ey, remb, ws, fb, w, gb)


def _tc_node_body(h, ps, pc, ent, fhw, fhb, gw, ghb, gruw, grub, out):
    d = h.shape[-1]
    cnt = pc[:, 0:1]
    aggr = ps[...] / jnp.maximum(cnt, 1.0)
    hh = h[...]
    e = ent[...]
    fw = fhw[...]
    u = (hh * (fw[0:1] + fw[1:2] * aggr + fw[2:3] * e)
         + aggr * (fw[3:4] + fw[5:6] * e) + fw[4:5] * e + fhb[...])
    upd = jnp.tanh(u)
    upd = upd + jnp.tanh(
        jnp.dot(upd, gw[...], preferred_element_type=jnp.float32) + ghb[...])
    zpre = (jnp.dot(hh, gruw[0:d, :], preferred_element_type=jnp.float32)
            + jnp.dot(upd, gruw[d:2 * d, :], preferred_element_type=jnp.float32)
            + grub[...])
    z = jax.nn.sigmoid(zpre)
    out[...] = (1.0 - z) * hh + z * upd


def _tc_node(h0, psums, pcnts, ent, fhw, fhb, gw, ghb, gruw, grub, block_n=2000):
    n, d = h0.shape
    assert n % block_n == 0
    grid = (n // block_n,)
    full = lambda shp: pl.BlockSpec(shp, lambda i: (0,) * len(shp))
    return pl.pallas_call(
        _tc_node_body,
        grid=grid,
        in_specs=[
            pl.BlockSpec((block_n, d), lambda i: (i, 0)),
            pl.BlockSpec((block_n, d), lambda i: (i, 0)),
            pl.BlockSpec((block_n, 16), lambda i: (i, 0)),
            pl.BlockSpec((block_n, d), lambda i: (i, 0)),
            full((6, d)),
            full((1, d)),
            full((d, d)),
            full((1, d)),
            full((2 * d, d)),
            full((1, d)),
        ],
        out_specs=pl.BlockSpec((block_n, d), lambda i: (i, 0)),
        out_shape=jax.ShapeDtypeStruct((n, d), jnp.float32),
    )(h0, psums, pcnts, ent, fhw, fhb, gw, ghb, gruw, grub)


def kernel(hidden, edges_y, selected_edges, ent_emb, rel_emb,
           f_msg_ws, f_msg_b, g_msg_W, g_msg_b,
           f_hid_ws, f_hid_b, g_hid_W, g_hid_b, gru_W, gru_b):
    _, n, d = hidden.shape
    e = selected_edges.shape[0]
    h0 = hidden[0]
    vi = selected_edges[:, 1]
    rl = selected_edges[:, 3]
    vj = selected_edges[:, 5]

    hv = _sc_gather(h0, vi)
    msg = _tc_edge(hv, rl.reshape(e, 1), edges_y.reshape(e, 1), rel_emb,
                   f_msg_ws, f_msg_b.reshape(1, d), g_msg_W,
                   g_msg_b.reshape(1, d))
    sums_p, cnts_p = _sc_segment(msg, vj)
    out = _tc_node(h0, sums_p[:n], cnts_p[:n], ent_emb, f_hid_ws,
                   f_hid_b.reshape(1, d), g_hid_W, g_hid_b.reshape(1, d),
                   gru_W, gru_b.reshape(1, d))
    return out.reshape(1, n, d)

# --- scband reference (transcript-rebuilt; emitter-appended) ---
"""Pipeline reference for scband-unconsciousness-flow-29042568855562 (READ-ONLY COPY).

The authoritative reference and input builder live on the scoring server;
editing this copy changes nothing except your own understanding.
"""

import jax, jax.numpy as jnp
import numpy as np

N_NODES = 10000
N_RELS = 200
D = 128
E = 160000


def setup_inputs(seed: int = 0):
    key = jax.random.key(seed)
    ks = jax.random.split(key, 10)
    rng = np.random.default_rng(0)
    vi = rng.integers(0, N_NODES, size=E)
    # ensure every node appears at least once as vj so no empty segments (matches
    # typical selected_edges covering all attended nodes)
    vj = np.concatenate([np.arange(N_NODES), rng.integers(0, N_NODES, size=E - N_NODES)])
    order = np.argsort(vj, kind='stable')  # sorted by (eg_idx=0, vj)
    vi = vi[order].astype(np.int32)
    vj = vj[order].astype(np.int32)
    rel = rng.integers(0, N_RELS, size=E).astype(np.int32)
    zeros = np.zeros(E, dtype=np.int32)
    # selected_edges[i] = (eg_idx, vi, vj, rel, idx_vi, idx_vj); batch=1 so eg_idx=0,
    # and the dense group ids idx_vi/idx_vj coincide with vi/vj here
    selected_edges = jnp.asarray(np.stack([zeros, vi, vj, rel, vi, vj], axis=1))
    inp = {
        'hidden': jax.random.normal(ks[0], (1, N_NODES, D), jnp.float32),
        'edges_y': jax.random.uniform(ks[1], (E,), jnp.float32),
        'selected_edges': selected_edges,
        'ent_emb': jax.random.normal(ks[2], (N_NODES, D), jnp.float32) * 0.05,
        'rel_emb': jax.random.normal(ks[3], (N_RELS, D), jnp.float32) * 0.05,
        'f_msg_ws': jax.random.normal(ks[4], (3, D), jnp.float32) * 0.05,
        'f_msg_b': jnp.zeros((D,), jnp.float32),
        'g_msg_W': jax.random.normal(ks[5], (D, D), jnp.float32) * (1.0 / np.sqrt(D)),
        'g_msg_b': jnp.zeros((D,), jnp.float32),
        'f_hid_ws': jax.random.normal(ks[6], (6, D), jnp.float32) * 0.05,
        'f_hid_b': jnp.zeros((D,), jnp.float32),
        'g_hid_W': jax.random.normal(ks[7], (D, D), jnp.float32) * (1.0 / np.sqrt(D)),
        'g_hid_b': jnp.zeros((D,), jnp.float32),
        'gru_W': jax.random.normal(ks[8], (2 * D, D), jnp.float32) * (1.0 / np.sqrt(2 * D)),
        'gru_b': jnp.zeros((D,), jnp.float32),
    }
    return inp


def reference(hidden, edges_y, selected_edges, ent_emb, rel_emb,
              f_msg_ws, f_msg_b, g_msg_W, g_msg_b,
              f_hid_ws, f_hid_b, g_hid_W, g_hid_b, gru_W, gru_b):
    num_seg = hidden.shape[1]
    vi = selected_edges[:, 1]
    vj = selected_edges[:, 2]
    rel = selected_edges[:, 3]
    idx_vj = selected_edges[:, 5]
    h0 = hidden[0]
    # Node2Edge (batch_size == 1 -> eg_idx all zero): gather node states onto edges
    hidden_vi = h0[vi]
    r = rel_emb[rel]
    ey = edges_y[:, None]
    # F f_message, interact [[0], [0,1], [0,1,2]] on (hidden_vi, rel_emb, edges_y), tanh
    t0 = hidden_vi
    t1 = hidden_vi * r
    t2 = hidden_vi * r * ey
    msg = jnp.tanh(jnp.sum(jnp.stack([t0, t1, t2], axis=-2) * f_msg_ws, axis=-2) + f_msg_b)
    # G g_message: residual tanh dense
    msg = msg + jnp.tanh(msg @ g_msg_W + g_msg_b)
    # Aggregate at='vj', aggr_op='mean': unsorted_segment_mean over idx_vj, then scatter_nd
    sums = jnp.zeros((num_seg, D), msg.dtype).at[idx_vj].add(msg)
    cnts = jnp.zeros((num_seg,), msg.dtype).at[idx_vj].add(1.0)
    aggr = sums / jnp.maximum(cnts, 1.0)[:, None]
    seg_vj = jnp.zeros((num_seg,), dtype=vj.dtype).at[idx_vj].max(vj)  # unsorted_segment_max of vj
    msg_aggr = jnp.zeros_like(hidden).at[0, seg_vj].set(aggr)
    # F f_hidden, interact [[0],[0,1],[0,2],[1],[2],[1,2]] on (hidden, msg_aggr, ent_emb), tanh
    e = ent_emb[None]
    u0 = hidden
    u1 = hidden * msg_aggr
    u2 = hidden * e
    u3 = msg_aggr
    u4 = e
    u5 = msg_aggr * e
    upd = jnp.tanh(jnp.sum(jnp.stack([u0, u1, u2, u3, u4, u5], axis=-2) * f_hid_ws, axis=-2) + f_hid_b)
    # G g_hidden: residual tanh dense
    upd = upd + jnp.tanh(upd @ g_hid_W + g_hid_b)
    # ReducedGRU
    z = jax.nn.sigmoid(jnp.concatenate([hidden, upd], axis=-1) @ gru_W + gru_b)
    new_hidden = (1.0 - z) * hidden + z * upd
    return new_hidden

if __name__ == "__main__":
    import jax
    _d = setup_inputs()
    print(jax.jit(kernel)(*tuple(_d.values())))

</pallas_src>

<mosaic_0001>
#map = affine_map<(d0, d1) -> (0, 0)>
#map1 = affine_map<(d0, d1) -> (0)>
module attributes {stable_mosaic.version = 14 : i64} {
  func.func @_sc_seg_body(%arg0: i32, %arg1: i32, %arg2: memref<160000x128xf32, #tpu.memory_space<hbm>>, %arg3: memref<160000xi32, #tpu.memory_space<hbm>>, %arg4: memref<10240x128xf32, #tpu.memory_space<hbm>>, %arg5: memref<10240x16xf32, #tpu.memory_space<hbm>>, %arg6: memref<144xi32, #tpu.memory_space<vmem>>, %arg7: memref<128x128xf32, #tpu.memory_space<vmem>>, %arg8: memref<16xi32, #tpu.memory_space<vmem>>, %arg9: memref<320x128xf32, #tpu.memory_space<vmem>>, %arg10: memref<320x16xf32, #tpu.memory_space<vmem>>) attributes {dimension_semantics = [#tpu.dimension_semantics<core_parallel>, #tpu.dimension_semantics<subcore_parallel>], iteration_bounds = array<i64: 2, 16>, scalar_prefetch = 0 : i64, scratch_operands = 5 : i64, tpu.core_type = #tpu.core_type<sc_vector_subcore>, window_params = [{transform_indices = #map}, {transform_indices = #map1}, {transform_indices = #map}, {transform_indices = #map}]} {
    %mul3A = arith.constant 16 : i32
    %mul3A_0 = arith.muli %arg0, %mul3A : i32
    %add3A = arith.addi %mul3A_0, %arg1 : i32
    %mul3A_1 = arith.constant 320 : i32
    %mul3A_2 = arith.muli %add3A, %mul3A_1 : i32
    %iota3A = tpu.iota {dimensions = array<i32: 0>} : vector<16xi32>
    %scan3A = arith.constant 0 : i32
    %scan3A_3 = arith.constant 1250 : i32
    %scan3A_4 = arith.constant 0 : i32
    %scan3A_5 = arith.constant 11 : i32
    %scan3A_6 = arith.addi %scan3A_4, %scan3A_5 : i32
    %scan3A_7 = arith.constant 1 : i32
    %scan3A_8:2 = scf.for %scan3A_33 = %scan3A_4 to %scan3A_6 step %scan3A_7 iter_args(%scan3A_34 = %scan3A, %scan3A_35 = %scan3A_3) -> (i32, i32)  : i32 {
      %ge3A = arith.cmpi sge, %scan3A_34, %scan3A_35 : i32
      %add3A_36 = arith.addi %scan3A_34, %scan3A_35 : i32
      %jit3A = arith.constant 2 : i32
      %div3A = arith.divsi %add3A_36, %jit3A : i32
      %sign3A = arith.constant 0 : i32
      %sign3A_37 = arith.cmpi sgt, %add3A_36, %sign3A : i32
      %sign3A_38 = arith.extui %sign3A_37 : i1 to i32
      %sign3A_39 = arith.constant 0 : i32
      %sign3A_40 = arith.cmpi slt, %add3A_36, %sign3A_39 : i32
      %sign3A_41 = arith.extui %sign3A_40 : i1 to i32
      %sign3A_42 = arith.subi %sign3A_38, %sign3A_41 : i32
      %sign3A_43 = arith.constant 0 : i32
      %sign3A_44 = arith.cmpi sgt, %jit3A, %sign3A_43 : i32
      %sign3A_45 = arith.extui %sign3A_44 : i1 to i32
      %sign3A_46 = arith.constant 0 : i32
      %sign3A_47 = arith.cmpi slt, %jit3A, %sign3A_46 : i32
      %sign3A_48 = arith.extui %sign3A_47 : i1 to i32
      %sign3A_49 = arith.subi %sign3A_45, %sign3A_48 : i32
      %ne3A = arith.cmpi ne, %sign3A_42, %sign3A_49 : i32
      %rem3A = arith.remsi %add3A_36, %jit3A : i32
      %ne3A_50 = arith.constant 0 : i32
      %ne3A_51 = arith.cmpi ne, %rem3A, %ne3A_50 : i32
      %and3A = arith.andi %ne3A, %ne3A_51 : i1
      %sub3A_52 = arith.constant 1 : i32
      %sub3A_53 = arith.subi %div3A, %sub3A_52 : i32
      %select_n3A = arith.select %and3A, %sub3A_53, %div3A : i32
      %min3A = arith.constant 1249 : i32
      %min3A_54 = arith.minsi %select_n3A, %min3A : i32
      %mul3A_55 = arith.constant 128 : i32
      %mul3A_56 = arith.muli %min3A_54, %mul3A_55 : i32
      "tpu.region"() ({
        %run_scoped3A = tpu.sem_alloc : memref<!tpu.dma_semaphore, #tpu.memory_space<semaphore_mem>>
        %dma_start3A = tpu.memref_slice %arg3[%mul3A_56] : memref<160000xi32, #tpu.memory_space<hbm>> -> memref<16xi32, #tpu.memory_space<hbm>>
        %dma_start3A_65 = tpu.memref_slice %arg3[%mul3A_56] : memref<160000xi32, #tpu.memory_space<hbm>> -> memref<16xi32, #tpu.memory_space<hbm>>
        tpu.enqueue_dma source(%dma_start3A_65 : memref<16xi32, #tpu.memory_space<hbm>>) target(%arg8 : memref<16xi32, #tpu.memory_space<vmem>>) target_semaphore(%run_scoped3A : memref<!tpu.dma_semaphore, #tpu.memory_space<semaphore_mem>>)
        %dma_wait3A = tpu.memref_slice %arg3[%mul3A_56] : memref<160000xi32, #tpu.memory_space<hbm>> -> memref<16xi32, #tpu.memory_space<hbm>>
        %dma_wait3A_66 = tpu.memref_slice %arg3[%mul3A_56] : memref<160000xi32, #tpu.memory_space<hbm>> -> memref<16xi32, #tpu.memory_space<hbm>>
        tpu.wait_dma2 semaphore(%run_scoped3A : memref<!tpu.dma_semaphore, #tpu.memory_space<semaphore_mem>>) src(%dma_wait3A_66 : memref<16xi32, #tpu.memory_space<hbm>>) dst(%arg8 : memref<16xi32, #tpu.memory_space<vmem>>)
        tpu.yield
      }) : () -> ()
      %get3A = arith.constant 0 : index
      %get3A_57 = tpu.vector_load %arg8[%get3A] {strides = array<i32>} : memref<16xi32, #tpu.memory_space<vmem>>, vector<16xi32>,
      %slice3A = vector.extract_strided_slice %get3A_57 {offsets = [0], sizes = [1], strides = [1]} : vector<16xi32> to vector<1xi32>
      %squeeze3A = vector.extract %slice3A[0] : i32 from vector<1xi32>
      %ge3A_58 = arith.cmpi sge, %squeeze3A, %mul3A_2 : i32
      %select_n3A_59 = arith.select %ge3A_58, %min3A_54, %scan3A_35 : i32
      %select_n3A_60 = arith.select %ge3A, %scan3A_35, %select_n3A_59 : i32
      %add3A_61 = arith.constant 1 : i32
      %add3A_62 = arith.addi %min3A_54, %add3A_61 : i32
      %select_n3A_63 = arith.select %ge3A_58, %scan3A_34, %add3A_62 : i32
      %select_n3A_64 = arith.select %ge3A, %scan3A_34, %select_n3A_63 : i32
      scf.yield %select_n3A_64, %select_n3A_60 : i32, i32
    }
    %scan3A_9 = arith.constant 11 : i32
    %sub3A = arith.constant 1 : i32
    %sub3A_10 = arith.subi %scan3A_8#0, %sub3A : i32
    %max3A = arith.constant 0 : i32
    %max3A_11 = arith.maxsi %sub3A_10, %max3A : i32
    %add3A_12 = arith.constant 320 : i32
    %add3A_13 = arith.addi %mul3A_2, %add3A_12 : i32
    %scan3A_14 = arith.constant 0 : i32
    %scan3A_15 = arith.constant 1250 : i32
    %scan3A_16 = arith.constant 0 : i32
    %scan3A_17 = arith.constant 11 : i32
    %scan3A_18 = arith.addi %scan3A_16, %scan3A_17 : i32
    %scan3A_19 = arith.constant 1 : i32
    %scan3A_20:2 = scf.for %scan3A_33 = %scan3A_16 to %scan3A_18 step %scan3A_19 iter_args(%scan3A_34 = %scan3A_14, %scan3A_35 = %scan3A_15) -> (i32, i32)  : i32 {
      %ge3A = arith.cmpi sge, %scan3A_34, %scan3A_35 : i32
      %add3A_36 = arith.addi %scan3A_34, %scan3A_35 : i32
      %jit3A = arith.constant 2 : i32
      %div3A = arith.divsi %add3A_36, %jit3A : i32
      %sign3A = arith.constant 0 : i32
      %sign3A_37 = arith.cmpi sgt, %add3A_36, %sign3A : i32
      %sign3A_38 = arith.extui %sign3A_37 : i1 to i32
      %sign3A_39 = arith.constant 0 : i32
      %sign3A_40 = arith.cmpi slt, %add3A_36, %sign3A_39 : i32
      %sign3A_41 = arith.extui %sign3A_40 : i1 to i32
      %sign3A_42 = arith.subi %sign3A_38, %sign3A_41 : i32
      %sign3A_43 = arith.constant 0 : i32
      %sign3A_44 = arith.cmpi sgt, %jit3A, %sign3A_43 : i32
      %sign3A_45 = arith.extui %sign3A_44 : i1 to i32
      %sign3A_46 = arith.constant 0 : i32
      %sign3A_47 = arith.cmpi slt, %jit3A, %sign3A_46 : i32
      %sign3A_48 = arith.extui %sign3A_47 : i1 to i32
      %sign3A_49 = arith.subi %sign3A_45, %sign3A_48 : i32
      %ne3A = arith.cmpi ne, %sign3A_42, %sign3A_49 : i32
      %rem3A = arith.remsi %add3A_36, %jit3A : i32
      %ne3A_50 = arith.constant 0 : i32
      %ne3A_51 = arith.cmpi ne, %rem3A, %ne3A_50 : i32
      %and3A = arith.andi %ne3A, %ne3A_51 : i1
      %sub3A_52 = arith.constant 1 : i32
      %sub3A_53 = arith.subi %div3A, %sub3A_52 : i32
      %select_n3A = arith.select %and3A, %sub3A_53, %div3A : i32
      %min3A = arith.constant 1249 : i32
      %min3A_54 = arith.minsi %select_n3A, %min3A : i32
      %mul3A_55 = arith.constant 128 : i32
      %mul3A_56 = arith.muli %min3A_54, %mul3A_55 : i32
      "tpu.region"() ({
        %run_scoped3A = tpu.sem_alloc : memref<!tpu.dma_semaphore, #tpu.memory_space<semaphore_mem>>
        %dma_start3A = tpu.memref_slice %arg3[%mul3A_56] : memref<160000xi32, #tpu.memory_space<hbm>> -> memref<16xi32, #tpu.memory_space<hbm>>
        %dma_start3A_65 = tpu.memref_slice %arg3[%mul3A_56] : memref<160000xi32, #tpu.memory_space<hbm>> -> memref<16xi32, #tpu.memory_space<hbm>>
        tpu.enqueue_dma source(%dma_start3A_65 : memref<16xi32, #tpu.memory_space<hbm>>) target(%arg8 : memref<16xi32, #tpu.memory_space<vmem>>) target_semaphore(%run_scoped3A : memref<!tpu.dma_semaphore, #tpu.memory_space<semaphore_mem>>)
        %dma_wait3A = tpu.memref_slice %arg3[%mul3A_56] : memref<160000xi32, #tpu.memory_space<hbm>> -> memref<16xi32, #tpu.memory_space<hbm>>
        %dma_wait3A_66 = tpu.memref_slice %arg3[%mul3A_56] : memref<160000xi32, #tpu.memory_space<hbm>> -> memref<16xi32, #tpu.memory_space<hbm>>
        tpu.wait_dma2 semaphore(%run_scoped3A : memref<!tpu.dma_semaphore, #tpu.memory_space<semaphore_mem>>) src(%dma_wait3A_66 : memref<16xi32, #tpu.memory_space<hbm>>) dst(%arg8 : memref<16xi32, #tpu.memory_space<vmem>>)
        tpu.yield
      }) : () -> ()
      %get3A = arith.constant 0 : index
      %get3A_57 = tpu.vector_load %arg8[%get3A] {strides = array<i32>} : memref<16xi32, #tpu.memory_space<vmem>>, vector<16xi32>,
      %slice3A = vector.extract_strided_slice %get3A_57 {offsets = [0], sizes = [1], strides = [1]} : vector<16xi32> to vector<1xi32>
      %squeeze3A = vector.extract %slice3A[0] : i32 from vector<1xi32>
      %ge3A_58 = arith.cmpi sge, %squeeze3A, %add3A_13 : i32
      %select_n3A_59 = arith.select %ge3A_58, %min3A_54, %scan3A_35 : i32
      %select_n3A_60 = arith.select %ge3A, %scan3A_35, %select_n3A_59 : i32
      %add3A_61 = arith.constant 1 : i32
      %add3A_62 = arith.addi %min3A_54, %add3A_61 : i32
      %select_n3A_63 = arith.select %ge3A_58, %scan3A_34, %add3A_62 : i32
      %select_n3A_64 = arith.select %ge3A, %scan3A_34, %select_n3A_63 : i32
      scf.yield %select_n3A_64, %select_n3A_60 : i32, i32
    }
    %scan3A_21 = arith.constant 11 : i32
    %parallel_loop3A = arith.constant 0 : i32
    %parallel_loop3A_22 = arith.constant 320 : i32
    %parallel_loop3A_23 = arith.constant 1 : i32
    scf.for %parallel_loop3A_33 = %parallel_loop3A to %parallel_loop3A_22 step %parallel_loop3A_23  : i32 {
      %parallel_loop3A_34 = arith.constant 0.000000e+00 : f32
      %parallel_loop3A_35 = vector.broadcast %parallel_loop3A_34 : f32 to vector<16xf32>
      %parallel_loop3A_36 = arith.index_cast %parallel_loop3A_33 : i32 to index
      %parallel_loop3A_37 = arith.constant 0 : index
      %parallel_loop3A_38 = tpu.vector_load %arg9[%parallel_loop3A_36, %parallel_loop3A_37] {strides = array<i32>} : memref<320x128xf32, #tpu.memory_space<vmem>>, vector<16xf32>,
      tpu.vector_store %arg9[%parallel_loop3A_36, %parallel_loop3A_37], %parallel_loop3A_35 {strides = array<i32>} : memref<320x128xf32, #tpu.memory_space<vmem>>, vector<16xf32>,
      %parallel_loop3A_39 = arith.constant 0.000000e+00 : f32
      %parallel_loop3A_40 = vector.broadcast %parallel_loop3A_39 : f32 to vector<16xf32>
      %parallel_loop3A_41 = arith.index_cast %parallel_loop3A_33 : i32 to index
      %parallel_loop3A_42 = arith.constant 16 : index
      %parallel_loop3A_43 = tpu.vector_load %arg9[%parallel_loop3A_41, %parallel_loop3A_42] {strides = array<i32>} : memref<320x128xf32, #tpu.memory_space<vmem>>, vector<16xf32>,
      tpu.vector_store %arg9[%parallel_loop3A_41, %parallel_loop3A_42], %parallel_loop3A_40 {strides = array<i32>} : memref<320x128xf32, #tpu.memory_space<vmem>>, vector<16xf32>,
      %parallel_loop3A_44 = arith.constant 0.000000e+00 : f32
      %parallel_loop3A_45 = vector.broadcast %parallel_loop3A_44 : f32 to vector<16xf32>
      %parallel_loop3A_46 = arith.index_cast %parallel_loop3A_33 : i32 to index
      %parallel_loop3A_47 = arith.constant 32 : index
      %parallel_loop3A_48 = tpu.vector_load %arg9[%parallel_loop3A_46, %parallel_loop3A_47] {strides = array<i32>} : memref<320x128xf32, #tpu.memory_space<vmem>>, vector<16xf32>,
      tpu.vector_store %arg9[%parallel_loop3A_46, %parallel_loop3A_47], %parallel_loop3A_45 {strides = array<i32>} : memref<320x128xf32, #tpu.memory_space<vmem>>, vector<16xf32>,
      %parallel_loop3A_49 = arith.constant 0.000000e+00 : f32
      %parallel_loop3A_50 = vector.broadcast %parallel_loop3A_49 : f32 to vector<16xf32>
      %parallel_loop3A_51 = arith.index_cast %parallel_loop3A_33 : i32 to index
      %parallel_loop3A_52 = arith.constant 48 : index
      %parallel_loop3A_53 = tpu.vector_load %arg9[%parallel_loop3A_51, %parallel_loop3A_52] {strides = array<i32>} : memref<320x128xf32, #tpu.memory_space<vmem>>, vector<16xf32>,
      tpu.vector_store %arg9[%parallel_loop3A_51, %parallel_loop3A_52], %parallel_loop3A_50 {strides = array<i32>} : memref<320x128xf32, #tpu.memory_space<vmem>>, vector<16xf32>,
      %parallel_loop3A_54 = arith.constant 0.000000e+00 : f32
      %parallel_loop3A_55 = vector.broadcast %parallel_loop3A_54 : f32 to vector<16xf32>
      %parallel_loop3A_56 = arith.index_cast %parallel_loop3A_33 : i32 to index
      %parallel_loop3A_57 = arith.constant 64 : index
      %parallel_loop3A_58 = tpu.vector_load %arg9[%parallel_loop3A_56, %parallel_loop3A_57] {strides = array<i32>} : memref<320x128xf32, #tpu.memory_space<vmem>>, vector<16xf32>,
      tpu.vector_store %arg9[%parallel_loop3A_56, %parallel_loop3A_57], %parallel_loop3A_55 {strides = array<i32>} : memref<320x128xf32, #tpu.memory_space<vmem>>, vector<16xf32>,
      %parallel_loop3A_59 = arith.constant 0.000000e+00 : f32
      %parallel_loop3A_60 = vector.broadcast %parallel_loop3A_59 : f32 to vector<16xf32>
      %parallel_loop3A_61 = arith.index_cast %parallel_loop3A_33 : i32 to index
      %parallel_loop3A_62 = arith.constant 80 : index
      %parallel_loop3A_63 = tpu.vector_load %arg9[%parallel_loop3A_61, %parallel_loop3A_62] {strides = array<i32>} : memref<320x128xf32, #tpu.memory_space<vmem>>, vector<16xf32>,
      tpu.vector_store %arg9[%parallel_loop3A_61, %parallel_loop3A_62], %parallel_loop3A_60 {strides = array<i32>} : memref<320x128xf32, #tpu.memory_space<vmem>>, vector<16xf32>,
      %parallel_loop3A_64 = arith.constant 0.000000e+00 : f32
      %parallel_loop3A_65 = vector.broadcast %parallel_loop3A_64 : f32 to vector<16xf32>
      %parallel_loop3A_66 = arith.index_cast %parallel_loop3A_33 : i32 to index
      %parallel_loop3A_67 = arith.constant 96 : index
      %parallel_loop3A_68 = tpu.vector_load %arg9[%parallel_loop3A_66, %parallel_loop3A_67] {strides = array<i32>} : memref<320x128xf32, #tpu.memory_space<vmem>>, vector<16xf32>,
      tpu.vector_store %arg9[%parallel_loop3A_66, %parallel_loop3A_67], %parallel_loop3A_65 {strides = array<i32>} : memref<320x128xf32, #tpu.memory_space<vmem>>, vector<16xf32>,
      %parallel_loop3A_69 = arith.constant 0.000000e+00 : f32
      %parallel_loop3A_70 = vector.broadcast %parallel_loop3A_69 : f32 to vector<16xf32>
      %parallel_loop3A_71 = arith.index_cast %parallel_loop3A_33 : i32 to index
      %parallel_loop3A_72 = arith.constant 112 : index
      %parallel_loop3A_73 = tpu.vector_load %arg9[%parallel_loop3A_71, %parallel_loop3A_72] {strides = array<i32>} : memref<320x128xf32, #tpu.memory_space<vmem>>, vector<16xf32>,
      tpu.vector_store %arg9[%parallel_loop3A_71, %parallel_loop3A_72], %parallel_loop3A_70 {strides = array<i32>} : memref<320x128xf32, #tpu.memory_space<vmem>>, vector<16xf32>,
      %parallel_loop3A_74 = arith.constant 0.000000e+00 : f32
      %parallel_loop3A_75 = vector.broadcast %parallel_loop3A_74 : f32 to vector<16xf32>
      %parallel_loop3A_76 = arith.index_cast %parallel_loop3A_33 : i32 to index
      %parallel_loop3A_77 = arith.constant 0 : index
      %parallel_loop3A_78 = tpu.vector_load %arg10[%parallel_loop3A_76, %parallel_loop3A_77] {strides = array<i32>} : memref<320x16xf32, #tpu.memory_space<vmem>>, vector<16xf32>,
      tpu.vector_store %arg10[%parallel_loop3A_76, %parallel_loop3A_77], %parallel_loop3A_75 {strides = array<i32>} : memref<320x16xf32, #tpu.memory_space<vmem>>, vector<16xf32>,
    } {sc.loop_unroll_factor = 4 : i64, sc.parallel_access}
    %broadcast_in_dim3A = arith.constant 1.000000e+00 : f32
    %broadcast_in_dim3A_24 = vector.broadcast %broadcast_in_dim3A : f32 to vector<16xf32>
    %while3A = arith.constant 0 : i32
    %while3A_25 = arith.subi %scan3A_20#0, %max3A_11 : i32
    %while3A_26 = arith.addi %max3A_11, %while3A_25 : i32
    %while3A_27 = arith.constant 1 : i32
    %while3A_28 = arith.divsi %while3A_25, %while3A_27 : i32
    %while3A_29 = arith.muli %while3A_28, %while3A_27 : i32
    %while3A_30 = arith.addi %max3A_11, %while3A_29 : i32
    %while3A_31 = arith.constant 1 : i32
    scf.for %while3A_33 = %max3A_11 to %while3A_30 step %while3A_31  : i32 {
      %mul3A_34 = arith.constant 128 : i32
      %mul3A_35 = arith.muli %while3A_33, %mul3A_34 : i32
      "tpu.region"() ({
        %run_scoped3A = tpu.sem_alloc : memref<!tpu.dma_semaphore, #tpu.memory_space<semaphore_mem>>
        %dma_start3A = arith.constant 0 : i32
        %dma_start3A_39 = tpu.memref_slice %arg6[%dma_start3A] : memref<144xi32, #tpu.memory_space<vmem>> -> memref<128xi32, #tpu.memory_space<vmem>>
        %dma_start3A_40 = tpu.memref_slice %arg3[%mul3A_35] : memref<160000xi32, #tpu.memory_space<hbm>> -> memref<128xi32, #tpu.memory_space<hbm>>
        %dma_start3A_41 = arith.constant 0 : i32
        %dma_start3A_42 = tpu.memref_slice %arg6[%dma_start3A_41] : memref<144xi32, #tpu.memory_space<vmem>> -> memref<128xi32, #tpu.memory_space<vmem>>
        %dma_start3A_43 = tpu.memref_slice %arg3[%mul3A_35] : memref<160000xi32, #tpu.memory_space<hbm>> -> memref<128xi32, #tpu.memory_space<hbm>>
        tpu.enqueue_dma source(%dma_start3A_43 : memref<128xi32, #tpu.memory_space<hbm>>) target(%dma_start3A_42 : memref<128xi32, #tpu.memory_space<vmem>>) target_semaphore(%run_scoped3A : memref<!tpu.dma_semaphore, #tpu.memory_space<semaphore_mem>>)
        %dma_wait3A = arith.constant 0 : i32
        %dma_wait3A_44 = tpu.memref_slice %arg6[%dma_wait3A] : memref<144xi32, #tpu.memory_space<vmem>> -> memref<128xi32, #tpu.memory_space<vmem>>
        %dma_wait3A_45 = tpu.memref_slice %arg3[%mul3A_35] : memref<160000xi32, #tpu.memory_space<hbm>> -> memref<128xi32, #tpu.memory_space<hbm>>
        %dma_wait3A_46 = arith.constant 0 : i32
        %dma_wait3A_47 = tpu.memref_slice %arg6[%dma_wait3A_46] : memref<144xi32, #tpu.memory_space<vmem>> -> memref<128xi32, #tpu.memory_space<vmem>>
        %dma_wait3A_48 = tpu.memref_slice %arg3[%mul3A_35] : memref<160000xi32, #tpu.memory_space<hbm>> -> memref<128xi32, #tpu.memory_space<hbm>>
        tpu.wait_dma2 semaphore(%run_scoped3A : memref<!tpu.dma_semaphore, #tpu.memory_space<semaphore_mem>>) src(%dma_wait3A_48 : memref<128xi32, #tpu.memory_space<hbm>>) dst(%dma_wait3A_47 : memref<128xi32, #tpu.memory_space<vmem>>)
        tpu.yield
      }) : () -> ()
      "tpu.region"() ({
        %run_scoped3A = tpu.sem_alloc : memref<!tpu.dma_semaphore, #tpu.memory_space<semaphore_mem>>
        %dma_start3A = arith.constant 0 : i32
        %dma_start3A_39 = tpu.memref_slice %arg2[%mul3A_35, %dma_start3A] : memref<160000x128xf32, #tpu.memory_space<hbm>> -> memref<128x128xf32, #tpu.memory_space<hbm>>
        %dma_start3A_40 = arith.constant 0 : i32
        %dma_start3A_41 = tpu.memref_slice %arg2[%mul3A_35, %dma_start3A_40] : memref<160000x128xf32, #tpu.memory_space<hbm>> -> memref<128x128xf32, #tpu.memory_space<hbm>>
        tpu.enqueue_dma source(%dma_start3A_41 : memref<128x128xf32, #tpu.memory_space<hbm>>) target(%arg7 : memref<128x128xf32, #tpu.memory_space<vmem>>) target_semaphore(%run_scoped3A : memref<!tpu.dma_semaphore, #tpu.memory_space<semaphore_mem>>)
        %dma_wait3A = arith.constant 0 : i32
        %dma_wait3A_42 = tpu.memref_slice %arg2[%mul3A_35, %dma_wait3A] : memref<160000x128xf32, #tpu.memory_space<hbm>> -> memref<128x128xf32, #tpu.memory_space<hbm>>
        %dma_wait3A_43 = arith.constant 0 : i32
        %dma_wait3A_44 = tpu.memref_slice %arg2[%mul3A_35, %dma_wait3A_43] : memref<160000x128xf32, #tpu.memory_space<hbm>> -> memref<128x128xf32, #tpu.memory_space<hbm>>
        tpu.wait_dma2 semaphore(%run_scoped3A : memref<!tpu.dma_semaphore, #tpu.memory_space<semaphore_mem>>) src(%dma_wait3A_44 : memref<128x128xf32, #tpu.memory_space<hbm>>) dst(%arg7 : memref<128x128xf32, #tpu.memory_space<vmem>>)
        tpu.yield
      }) : () -> ()
      %parallel_loop3A_36 = arith.constant 0 : i32
      %parallel_loop3A_37 = arith.constant 128 : i32
      %parallel_loop3A_38 = arith.constant 1 : i32
      scf.for %parallel_loop3A_39 = %parallel_loop3A_36 to %parallel_loop3A_37 step %parallel_loop3A_38  : i32 {
        %parallel_loop3A_40 = arith.index_cast %parallel_loop3A_39 : i32 to index
        %parallel_loop3A_41 = tpu.vector_load %arg6[%parallel_loop3A_40] {strides = array<i32>} : memref<144xi32, #tpu.memory_space<vmem>>, vector<16xi32>,
        %parallel_loop3A_42 = vector.extract_strided_slice %parallel_loop3A_41 {offsets = [0], sizes = [1], strides = [1]} : vector<16xi32> to vector<1xi32>
        %parallel_loop3A_43 = vector.extract %parallel_loop3A_42[0] : i32 from vector<1xi32>
        %parallel_loop3A_44 = arith.subi %parallel_loop3A_43, %mul3A_2 : i32
        %parallel_loop3A_45 = vector.broadcast %parallel_loop3A_44 : i32 to vector<16xi32>
        %parallel_loop3A_46 = arith.constant 0 : i32
        %parallel_loop3A_47 = vector.broadcast %parallel_loop3A_46 : i32 to vector<16xi32>
        %parallel_loop3A_48 = arith.cmpi sge, %parallel_loop3A_45, %parallel_loop3A_47 : vector<16xi32>
        %parallel_loop3A_49 = arith.constant 320 : i32
        %parallel_loop3A_50 = vector.broadcast %parallel_loop3A_49 : i32 to vector<16xi32>
        %parallel_loop3A_51 = arith.cmpi slt, %parallel_loop3A_45, %parallel_loop3A_50 : vector<16xi32>
        %parallel_loop3A_52 = arith.andi %parallel_loop3A_48, %parallel_loop3A_51 : vector<16xi1>
        %parallel_loop3A_53 = arith.constant 319 : i32
        %parallel_loop3A_54 = vector.broadcast %parallel_loop3A_53 : i32 to vector<16xi32>
        %parallel_loop3A_55 = arith.minsi %parallel_loop3A_45, %parallel_loop3A_54 : vector<16xi32>
        %parallel_loop3A_56 = arith.constant 0 : i32
        %parallel_loop3A_57 = vector.broadcast %parallel_loop3A_56 : i32 to vector<16xi32>
        %parallel_loop3A_58 = arith.maxsi %parallel_loop3A_55, %parallel_loop3A_57 : vector<16xi32>
        %parallel_loop3A_59 = arith.index_cast %parallel_loop3A_39 : i32 to index
        %parallel_loop3A_60 = arith.constant 0 : index
        %parallel_loop3A_61 = tpu.vector_load %arg7[%parallel_loop3A_59, %parallel_loop3A_60] {strides = array<i32>} : memref<128x128xf32, #tpu.memory_space<vmem>>, vector<16xf32>,
        %parallel_loop3A_62 = arith.constant 0 : i32
        %parallel_loop3A_63 = vector.broadcast %parallel_loop3A_62 : i32 to vector<16xi32>
        %parallel_loop3A_64 = arith.addi %parallel_loop3A_63, %iota3A : vector<16xi32>
        tpu.vector_store_idx %arg9[%parallel_loop3A_58, %parallel_loop3A_64], %parallel_loop3A_61 masked %parallel_loop3A_52 {add = true} : memref<320x128xf32, #tpu.memory_space<vmem>>[vector<16xi32>, vector<16xi32>], vector<16xf32>, vector<16xi1>
        %parallel_loop3A_65 = arith.index_cast %parallel_loop3A_39 : i32 to index
        %parallel_loop3A_66 = arith.constant 16 : index
        %parallel_loop3A_67 = tpu.vector_load %arg7[%parallel_loop3A_65, %parallel_loop3A_66] {strides = array<i32>} : memref<128x128xf32, #tpu.memory_space<vmem>>, vector<16xf32>,
        %parallel_loop3A_68 = arith.constant 16 : i32
        %parallel_loop3A_69 = vector.broadcast %parallel_loop3A_68 : i32 to vector<16xi32>
        %parallel_loop3A_70 = arith.addi %parallel_loop3A_69, %iota3A : vector<16xi32>
        tpu.vector_store_idx %arg9[%parallel_loop3A_58, %parallel_loop3A_70], %parallel_loop3A_67 masked %parallel_loop3A_52 {add = true} : memref<320x128xf32, #tpu.memory_space<vmem>>[vector<16xi32>, vector<16xi32>], vector<16xf32>, vector<16xi1>
        %parallel_loop3A_71 = arith.index_cast %parallel_loop3A_39 : i32 to index
        %parallel_loop3A_72 = arith.constant 32 : index
        %parallel_loop3A_73 = tpu.vector_load %arg7[%parallel_loop3A_71, %parallel_loop3A_72] {strides = array<i32>} : memref<128x128xf32, #tpu.memory_space<vmem>>, vector<16xf32>,
        %parallel_loop3A_74 = arith.constant 32 : i32
        %parallel_loop3A_75 = vector.broadcast %parallel_loop3A_74 : i32 to vector<16xi32>
        %parallel_loop3A_76 = arith.addi %parallel_loop3A_75, %iota3A : vector<16xi32>
        tpu.vector_store_idx %arg9[%parallel_loop3A_58, %parallel_loop3A_76], %parallel_loop3A_73 masked %parallel_loop3A_52 {add = true} : memref<320x128xf32, #tpu.memory_space<vmem>>[vector<16xi32>, vector<16xi32>], vector<16xf32>, vector<16xi1>
        %parallel_loop3A_77 = arith.index_cast %parallel_loop3A_39 : i32 to index
        %parallel_loop3A_78 = arith.constant 48 : index
        %parallel_loop3A_79 = tpu.vector_load %arg7[%parallel_loop3A_77, %parallel_loop3A_78] {strides = array<i32>} : memref<128x128xf32, #tpu.memory_space<vmem>>, vector<16xf32>,
        %parallel_loop3A_80 = arith.constant 48 : i32
        %parallel_loop3A_81 = vector.broadcast %parallel_loop3A_80 : i32 to vector<16xi32>
        %parallel_loop3A_82 = arith.addi %parallel_loop3A_81, %iota3A : vector<16xi32>
        tpu.vector_store_idx %arg9[%parallel_loop3A_58, %parallel_loop3A_82], %parallel_loop3A_79 masked %parallel_loop3A_52 {add = true} : memref<320x128xf32, #tpu.memory_space<vmem>>[vector<16xi32>, vector<16xi32>], vector<16xf32>, vector<16xi1>
        %parallel_loop3A_83 = arith.index_cast %parallel_loop3A_39 : i32 to index
        %parallel_loop3A_84 = arith.constant 64 : index
        %parallel_loop3A_85 = tpu.vector_load %arg7[%parallel_loop3A_83, %parallel_loop3A_84] {strides = array<i32>} : memref<128x128xf32, #tpu.memory_space<vmem>>, vector<16xf32>,
        %parallel_loop3A_86 = arith.constant 64 : i32
        %parallel_loop3A_87 = vector.broadcast %parallel_loop3A_86 : i32 to vector<16xi32>
        %parallel_loop3A_88 = arith.addi %parallel_loop3A_87, %iota3A : vector<16xi32>
        tpu.vector_store_idx %arg9[%parallel_loop3A_58, %parallel_loop3A_88], %parallel_loop3A_85 masked %parallel_loop3A_52 {add = true} : memref<320x128xf32, #tpu.memory_space<vmem>>[vector<16xi32>, vector<16xi32>], vector<16xf32>, vector<16xi1>
        %parallel_loop3A_89 = arith.index_cast %parallel_loop3A_39 : i32 to index
        %parallel_loop3A_90 = arith.constant 80 : index
        %parallel_loop3A_91 = tpu.vector_load %arg7[%parallel_loop3A_89, %parallel_loop3A_90] {strides = array<i32>} : memref<128x128xf32, #tpu.memory_space<vmem>>, vector<16xf32>,
        %parallel_loop3A_92 = arith.constant 80 : i32
        %parallel_loop3A_93 = vector.broadcast %parallel_loop3A_92 : i32 to vector<16xi32>
        %parallel_loop3A_94 = arith.addi %parallel_loop3A_93, %iota3A : vector<16xi32>
        tpu.vector_store_idx %arg9[%parallel_loop3A_58, %parallel_loop3A_94], %parallel_loop3A_91 masked %parallel_loop3A_52 {add = true} : memref<320x128xf32, #tpu.memory_space<vmem>>[vector<16xi32>, vector<16xi32>], vector<16xf32>, vector<16xi1>
        %parallel_loop3A_95 = arith.index_cast %parallel_loop3A_39 : i32 to index
        %parallel_loop3A_96 = arith.constant 96 : index
        %parallel_loop3A_97 = tpu.vector_load %arg7[%parallel_loop3A_95, %parallel_loop3A_96] {strides = array<i32>} : memref<128x128xf32, #tpu.memory_space<vmem>>, vector<16xf32>,
        %parallel_loop3A_98 = arith.constant 96 : i32
        %parallel_loop3A_99 = vector.broadcast %parallel_loop3A_98 : i32 to vector<16xi32>
        %parallel_loop3A_100 = arith.addi %parallel_loop3A_99, %iota3A : vector<16xi32>
        tpu.vector_store_idx %arg9[%parallel_loop3A_58, %parallel_loop3A_100], %parallel_loop3A_97 masked %parallel_loop3A_52 {add = true} : memref<320x128xf32, #tpu.memory_space<vmem>>[vector<16xi32>, vector<16xi32>], vector<16xf32>, vector<16xi1>
        %parallel_loop3A_101 = arith.index_cast %parallel_loop3A_39 : i32 to index
        %parallel_loop3A_102 = arith.constant 112 : index
        %parallel_loop3A_103 = tpu.vector_load %arg7[%parallel_loop3A_101, %parallel_loop3A_102] {strides = array<i32>} : memref<128x128xf32, #tpu.memory_space<vmem>>, vector<16xf32>,
        %parallel_loop3A_104 = arith.constant 112 : i32
        %parallel_loop3A_105 = vector.broadcast %parallel_loop3A_104 : i32 to vector<16xi32>
        %parallel_loop3A_106 = arith.addi %parallel_loop3A_105, %iota3A : vector<16xi32>
        tpu.vector_store_idx %arg9[%parallel_loop3A_58, %parallel_loop3A_106], %parallel_loop3A_103 masked %parallel_loop3A_52 {add = true} : memref<320x128xf32, #tpu.memory_space<vmem>>[vector<16xi32>, vector<16xi32>], vector<16xf32>, vector<16xi1>
        tpu.vector_store_idx %arg10[%parallel_loop3A_58, %iota3A], %broadcast_in_dim3A_24 masked %parallel_loop3A_52 {add = true} : memref<320x16xf32, #tpu.memory_space<vmem>>[vector<16xi32>, vector<16xi32>], vector<16xf32>, vector<16xi1>
      } {sc.loop_unroll_factor = 8 : i64, sc.parallel_access}
    }
    %while3A_32 = arith.constant 1 : i32
    scf.for %while3A_33 = %while3A_30 to %while3A_26 step %while3A_32  : i32 {
      %mul3A_34 = arith.constant 128 : i32
      %mul3A_35 = arith.muli %while3A_33, %mul3A_34 : i32
      "tpu.region"() ({
        %run_scoped3A = tpu.sem_alloc : memref<!tpu.dma_semaphore, #tpu.memory_space<semaphore_mem>>
        %dma_start3A = arith.constant 0 : i32
        %dma_start3A_39 = tpu.memref_slice %arg6[%dma_start3A] : memref<144xi32, #tpu.memory_space<vmem>> -> memref<128xi32, #tpu.memory_space<vmem>>
        %dma_start3A_40 = tpu.memref_slice %arg3[%mul3A_35] : memref<160000xi32, #tpu.memory_space<hbm>> -> memref<128xi32, #tpu.memory_space<hbm>>
        %dma_start3A_41 = arith.constant 0 : i32
        %dma_start3A_42 = tpu.memref_slice %arg6[%dma_start3A_41] : memref<144xi32, #tpu.memory_space<vmem>> -> memref<128xi32, #tpu.memory_space<vmem>>
        %dma_start3A_43 = tpu.memref_slice %arg3[%mul3A_35] : memref<160000xi32, #tpu.memory_space<hbm>> -> memref<128xi32, #tpu.memory_space<hbm>>
        tpu.enqueue_dma source(%dma_start3A_43 : memref<128xi32, #tpu.memory_space<hbm>>) target(%dma_start3A_42 : memref<128xi32, #tpu.memory_space<vmem>>) target_semaphore(%run_scoped3A : memref<!tpu.dma_semaphore, #tpu.memory_space<semaphore_mem>>)
        %dma_wait3A = arith.constant 0 : i32
        %dma_wait3A_44 = tpu.memref_slice %arg6[%dma_wait3A] : memref<144xi32, #tpu.memory_space<vmem>> -> memref<128xi32, #tpu.memory_space<vmem>>
        %dma_wait3A_45 = tpu.memref_slice %arg3[%mul3A_35] : memref<160000xi32, #tpu.memory_space<hbm>> -> memref<128xi32, #tpu.memory_space<hbm>>
        %dma_wait3A_46 = arith.constant 0 : i32
        %dma_wait3A_47 = tpu.memref_slice %arg6[%dma_wait3A_46] : memref<144xi32, #tpu.memory_space<vmem>> -> memref<128xi32, #tpu.memory_space<vmem>>
        %dma_wait3A_48 = tpu.memref_slice %arg3[%mul3A_35] : memref<160000xi32, #tpu.memory_space<hbm>> -> memref<128xi32, #tpu.memory_space<hbm>>
        tpu.wait_dma2 semaphore(%run_scoped3A : memref<!tpu.dma_semaphore, #tpu.memory_space<semaphore_mem>>) src(%dma_wait3A_48 : memref<128xi32, #tpu.memory_space<hbm>>) dst(%dma_wait3A_47 : memref<128xi32, #tpu.memory_space<vmem>>)
        tpu.yield
      }) : () -> ()
      "tpu.region"() ({
        %run_scoped3A = tpu.sem_alloc : memref<!tpu.dma_semaphore, #tpu.memory_space<semaphore_mem>>
        %dma_start3A = arith.constant 0 : i32
        %dma_start3A_39 = tpu.memref_slice %arg2[%mul3A_35, %dma_start3A] : memref<160000x128xf32, #tpu.memory_space<hbm>> -> memref<128x128xf32, #tpu.memory_space<hbm>>
        %dma_start3A_40 = arith.constant 0 : i32
        %dma_start3A_41 = tpu.memref_slice %arg2[%mul3A_35, %dma_start3A_40] : memref<160000x128xf32, #tpu.memory_space<hbm>> -> memref<128x128xf32, #tpu.memory_space<hbm>>
        tpu.enqueue_dma source(%dma_start3A_41 : memref<128x128xf32, #tpu.memory_space<hbm>>) target(%arg7 : memref<128x128xf32, #tpu.memory_space<vmem>>) target_semaphore(%run_scoped3A : memref<!tpu.dma_semaphore, #tpu.memory_space<semaphore_mem>>)
        %dma_wait3A = arith.constant 0 : i32
        %dma_wait3A_42 = tpu.memref_slice %arg2[%mul3A_35, %dma_wait3A] : memref<160000x128xf32, #tpu.memory_space<hbm>> -> memref<128x128xf32, #tpu.memory_space<hbm>>
        %dma_wait3A_43 = arith.constant 0 : i32
        %dma_wait3A_44 = tpu.memref_slice %arg2[%mul3A_35, %dma_wait3A_43] : memref<160000x128xf32, #tpu.memory_space<hbm>> -> memref<128x128xf32, #tpu.memory_space<hbm>>
        tpu.wait_dma2 semaphore(%run_scoped3A : memref<!tpu.dma_semaphore, #tpu.memory_space<semaphore_mem>>) src(%dma_wait3A_44 : memref<128x128xf32, #tpu.memory_space<hbm>>) dst(%arg7 : memref<128x128xf32, #tpu.memory_space<vmem>>)
        tpu.yield
      }) : () -> ()
      %parallel_loop3A_36 = arith.constant 0 : i32
      %parallel_loop3A_37 = arith.constant 128 : i32
      %parallel_loop3A_38 = arith.constant 1 : i32
      scf.for %parallel_loop3A_39 = %parallel_loop3A_36 to %parallel_loop3A_37 step %parallel_loop3A_38  : i32 {
        %parallel_loop3A_40 = arith.index_cast %parallel_loop3A_39 : i32 to index
        %parallel_loop3A_41 = tpu.vector_load %arg6[%parallel_loop3A_40] {strides = array<i32>} : memref<144xi32, #tpu.memory_space<vmem>>, vector<16xi32>,
        %parallel_loop3A_42 = vector.extract_strided_slice %parallel_loop3A_41 {offsets = [0], sizes = [1], strides = [1]} : vector<16xi32> to vector<1xi32>
        %parallel_loop3A_43 = vector.extract %parallel_loop3A_42[0] : i32 from vector<1xi32>
        %parallel_loop3A_44 = arith.subi %parallel_loop3A_43, %mul3A_2 : i32
        %parallel_loop3A_45 = vector.broadcast %parallel_loop3A_44 : i32 to vector<16xi32>
        %parallel_loop3A_46 = arith.constant 0 : i32
        %parallel_loop3A_47 = vector.broadcast %parallel_loop3A_46 : i32 to vector<16xi32>
        %parallel_loop3A_48 = arith.cmpi sge, %parallel_loop3A_45, %parallel_loop3A_47 : vector<16xi32>
        %parallel_loop3A_49 = arith.constant 320 : i32
        %parallel_loop3A_50 = vector.broadcast %parallel_loop3A_49 : i32 to vector<16xi32>
        %parallel_loop3A_51 = arith.cmpi slt, %parallel_loop3A_45, %parallel_loop3A_50 : vector<16xi32>
        %parallel_loop3A_52 = arith.andi %parallel_loop3A_48, %parallel_loop3A_51 : vector<16xi1>
        %parallel_loop3A_53 = arith.constant 319 : i32
        %parallel_loop3A_54 = vector.broadcast %parallel_loop3A_53 : i32 to vector<16xi32>
        %parallel_loop3A_55 = arith.minsi %parallel_loop3A_45, %parallel_loop3A_54 : vector<16xi32>
        %parallel_loop3A_56 = arith.constant 0 : i32
        %parallel_loop3A_57 = vector.broadcast %parallel_loop3A_56 : i32 to vector<16xi32>
        %parallel_loop3A_58 = arith.maxsi %parallel_loop3A_55, %parallel_loop3A_57 : vector<16xi32>
        %parallel_loop3A_59 = arith.index_cast %parallel_loop3A_39 : i32 to index
        %parallel_loop3A_60 = arith.constant 0 : index
        %parallel_loop3A_61 = tpu.vector_load %arg7[%parallel_loop3A_59, %parallel_loop3A_60] {strides = array<i32>} : memref<128x128xf32, #tpu.memory_space<vmem>>, vector<16xf32>,
        %parallel_loop3A_62 = arith.constant 0 : i32
        %parallel_loop3A_63 = vector.broadcast %parallel_loop3A_62 : i32 to vector<16xi32>
        %parallel_loop3A_64 = arith.addi %parallel_loop3A_63, %iota3A : vector<16xi32>
        tpu.vector_store_idx %arg9[%parallel_loop3A_58, %parallel_loop3A_64], %parallel_loop3A_61 masked %parallel_loop3A_52 {add = true} : memref<320x128xf32, #tpu.memory_space<vmem>>[vector<16xi32>, vector<16xi32>], vector<16xf32>, vector<16xi1>
        %parallel_loop3A_65 = arith.index_cast %parallel_loop3A_39 : i32 to index
        %parallel_loop3A_66 = arith.constant 16 : index
        %parallel_loop3A_67 = tpu.vector_load %arg7[%parallel_loop3A_65, %parallel_loop3A_66] {strides = array<i32>} : memref<128x128xf32, #tpu.memory_space<vmem>>, vector<16xf32>,
        %parallel_loop3A_68 = arith.constant 16 : i32
        %parallel_loop3A_69 = vector.broadcast %parallel_loop3A_68 : i32 to vector<16xi32>
        %parallel_loop3A_70 = arith.addi %parallel_loop3A_69, %iota3A : vector<16xi32>
        tpu.vector_store_idx %arg9[%parallel_loop3A_58, %parallel_loop3A_70], %parallel_loop3A_67 masked %parallel_loop3A_52 {add = true} : memref<320x128xf32, #tpu.memory_space<vmem>>[vector<16xi32>, vector<16xi32>], vector<16xf32>, vector<16xi1>
        %parallel_loop3A_71 = arith.index_cast %parallel_loop3A_39 : i32 to index
        %parallel_loop3A_72 = arith.constant 32 : index
        %parallel_loop3A_73 = tpu.vector_load %arg7[%parallel_loop3A_71, %parallel_loop3A_72] {strides = array<i32>} : memref<128x128xf32, #tpu.memory_space<vmem>>, vector<16xf32>,
        %parallel_loop3A_74 = arith.constant 32 : i32
        %parallel_loop3A_75 = vector.broadcast %parallel_loop3A_74 : i32 to vector<16xi32>
        %parallel_loop3A_76 = arith.addi %parallel_loop3A_75, %iota3A : vector<16xi32>
        tpu.vector_store_idx %arg9[%parallel_loop3A_58, %parallel_loop3A_76], %parallel_loop3A_73 masked %parallel_loop3A_52 {add = true} : memref<320x128xf32, #tpu.memory_space<vmem>>[vector<16xi32>, vector<16xi32>], vector<16xf32>, vector<16xi1>
        %parallel_loop3A_77 = arith.index_cast %parallel_loop3A_39 : i32 to index
        %parallel_loop3A_78 = arith.constant 48 : index
        %parallel_loop3A_79 = tpu.vector_load %arg7[%parallel_loop3A_77, %parallel_loop3A_78] {strides = array<i32>} : memref<128x128xf32, #tpu.memory_space<vmem>>, vector<16xf32>,
        %parallel_loop3A_80 = arith.constant 48 : i32
        %parallel_loop3A_81 = vector.broadcast %parallel_loop3A_80 : i32 to vector<16xi32>
        %parallel_loop3A_82 = arith.addi %parallel_loop3A_81, %iota3A : vector<16xi32>
        tpu.vector_store_idx %arg9[%parallel_loop3A_58, %parallel_loop3A_82], %parallel_loop3A_79 masked %parallel_loop3A_52 {add = true} : memref<320x128xf32, #tpu.memory_space<vmem>>[vector<16xi32>, vector<16xi32>], vector<16xf32>, vector<16xi1>
        %parallel_loop3A_83 = arith.index_cast %parallel_loop3A_39 : i32 to index
        %parallel_loop3A_84 = arith.constant 64 : index
        %parallel_loop3A_85 = tpu.vector_load %arg7[%parallel_loop3A_83, %parallel_loop3A_84] {strides = array<i32>} : memref<128x128xf32, #tpu.memory_space<vmem>>, vector<16xf32>,
        %parallel_loop3A_86 = arith.constant 64 : i32
        %parallel_loop3A_87 = vector.broadcast %parallel_loop3A_86 : i32 to vector<16xi32>
        %parallel_loop3A_88 = arith.addi %parallel_loop3A_87, %iota3A : vector<16xi32>
        tpu.vector_store_idx %arg9[%parallel_loop3A_58, %parallel_loop3A_88], %parallel_loop3A_85 masked %parallel_loop3A_52 {add = true} : memref<320x128xf32, #tpu.memory_space<vmem>>[vector<16xi32>, vector<16xi32>], vector<16xf32>, vector<16xi1>
        %parallel_loop3A_89 = arith.index_cast %parallel_loop3A_39 : i32 to index
        %parallel_loop3A_90 = arith.constant 80 : index
        %parallel_loop3A_91 = tpu.vector_load %arg7[%parallel_loop3A_89, %parallel_loop3A_90] {strides = array<i32>} : memref<128x128xf32, #tpu.memory_space<vmem>>, vector<16xf32>,
        %parallel_loop3A_92 = arith.constant 80 : i32
        %parallel_loop3A_93 = vector.broadcast %parallel_loop3A_92 : i32 to vector<16xi32>
        %parallel_loop3A_94 = arith.addi %parallel_loop3A_93, %iota3A : vector<16xi32>
        tpu.vector_store_idx %arg9[%parallel_loop3A_58, %parallel_loop3A_94], %parallel_loop3A_91 masked %parallel_loop3A_52 {add = true} : memref<320x128xf32, #tpu.memory_space<vmem>>[vector<16xi32>, vector<16xi32>], vector<16xf32>, vector<16xi1>
        %parallel_loop3A_95 = arith.index_cast %parallel_loop3A_39 : i32 to index
        %parallel_loop3A_96 = arith.constant 96 : index
        %parallel_loop3A_97 = tpu.vector_load %arg7[%parallel_loop3A_95, %parallel_loop3A_96] {strides = array<i32>} : memref<128x128xf32, #tpu.memory_space<vmem>>, vector<16xf32>,
        %parallel_loop3A_98 = arith.constant 96 : i32
        %parallel_loop3A_99 = vector.broadcast %parallel_loop3A_98 : i32 to vector<16xi32>
        %parallel_loop3A_100 = arith.addi %parallel_loop3A_99, %iota3A : vector<16xi32>
        tpu.vector_store_idx %arg9[%parallel_loop3A_58, %parallel_loop3A_100], %parallel_loop3A_97 masked %parallel_loop3A_52 {add = true} : memref<320x128xf32, #tpu.memory_space<vmem>>[vector<16xi32>, vector<16xi32>], vector<16xf32>, vector<16xi1>
        %parallel_loop3A_101 = arith.index_cast %parallel_loop3A_39 : i32 to index
        %parallel_loop3A_102 = arith.constant 112 : index
        %parallel_loop3A_103 = tpu.vector_load %arg7[%parallel_loop3A_101, %parallel_loop3A_102] {strides = array<i32>} : memref<128x128xf32, #tpu.memory_space<vmem>>, vector<16xf32>,
        %parallel_loop3A_104 = arith.constant 112 : i32
        %parallel_loop3A_105 = vector.broadcast %parallel_loop3A_104 : i32 to vector<16xi32>
        %parallel_loop3A_106 = arith.addi %parallel_loop3A_105, %iota3A : vector<16xi32>
        tpu.vector_store_idx %arg9[%parallel_loop3A_58, %parallel_loop3A_106], %parallel_loop3A_103 masked %parallel_loop3A_52 {add = true} : memref<320x128xf32, #tpu.memory_space<vmem>>[vector<16xi32>, vector<16xi32>], vector<16xf32>, vector<16xi1>
        tpu.vector_store_idx %arg10[%parallel_loop3A_58, %iota3A], %broadcast_in_dim3A_24 masked %parallel_loop3A_52 {add = true} : memref<320x16xf32, #tpu.memory_space<vmem>>[vector<16xi32>, vector<16xi32>], vector<16xf32>, vector<16xi1>
      } {sc.loop_unroll_factor = 8 : i64, sc.parallel_access}
    }
    "tpu.region"() ({
      %run_scoped3A = tpu.sem_alloc : memref<!tpu.dma_semaphore, #tpu.memory_space<semaphore_mem>>
      %dma_start3A = arith.constant 0 : i32
      %dma_start3A_33 = tpu.memref_slice %arg4[%mul3A_2, %dma_start3A] : memref<10240x128xf32, #tpu.memory_space<hbm>> -> memref<320x128xf32, #tpu.memory_space<hbm>>
      %dma_start3A_34 = arith.constant 0 : i32
      %dma_start3A_35 = tpu.memref_slice %arg4[%mul3A_2, %dma_start3A_34] : memref<10240x128xf32, #tpu.memory_space<hbm>> -> memref<320x128xf32, #tpu.memory_space<hbm>>
      tpu.enqueue_dma source(%arg9 : memref<320x128xf32, #tpu.memory_space<vmem>>) target(%dma_start3A_35 : memref<320x128xf32, #tpu.memory_space<hbm>>) target_semaphore(%run_scoped3A : memref<!tpu.dma_semaphore, #tpu.memory_space<semaphore_mem>>)
      %dma_wait3A = arith.constant 0 : i32
      %dma_wait3A_36 = tpu.memref_slice %arg4[%mul3A_2, %dma_wait3A] : memref<10240x128xf32, #tpu.memory_space<hbm>> -> memref<320x128xf32, #tpu.memory_space<hbm>>
      %dma_wait3A_37 = arith.constant 0 : i32
      %dma_wait3A_38 = tpu.memref_slice %arg4[%mul3A_2, %dma_wait3A_37] : memref<10240x128xf32, #tpu.memory_space<hbm>> -> memref<320x128xf32, #tpu.memory_space<hbm>>
      tpu.wait_dma2 semaphore(%run_scoped3A : memref<!tpu.dma_semaphore, #tpu.memory_space<semaphore_mem>>) src(%arg9 : memref<320x128xf32, #tpu.memory_space<vmem>>) dst(%dma_wait3A_38 : memref<320x128xf32, #tpu.memory_space<hbm>>)
      tpu.yield
    }) : () -> ()
    "tpu.region"() ({
      %run_scoped3A = tpu.sem_alloc : memref<!tpu.dma_semaphore, #tpu.memory_space<semaphore_mem>>
      %dma_start3A = arith.constant 0 : i32
      %dma_start3A_33 = tpu.memref_slice %arg5[%mul3A_2, %dma_start3A] : memref<10240x16xf32, #tpu.memory_space<hbm>> -> memref<320x16xf32, #tpu.memory_space<hbm>>
      %dma_start3A_34 = arith.constant 0 : i32
      %dma_start3A_35 = tpu.memref_slice %arg5[%mul3A_2, %dma_start3A_34] : memref<10240x16xf32, #tpu.memory_space<hbm>> -> memref<320x16xf32, #tpu.memory_space<hbm>>
      tpu.enqueue_dma source(%arg10 : memref<320x16xf32, #tpu.memory_space<vmem>>) target(%dma_start3A_35 : memref<320x16xf32, #tpu.memory_space<hbm>>) target_semaphore(%run_scoped3A : memref<!tpu.dma_semaphore, #tpu.memory_space<semaphore_mem>>)
      %dma_wait3A = arith.constant 0 : i32
      %dma_wait3A_36 = tpu.memref_slice %arg5[%mul3A_2, %dma_wait3A] : memref<10240x16xf32, #tpu.memory_space<hbm>> -> memref<320x16xf32, #tpu.memory_space<hbm>>
      %dma_wait3A_37 = arith.constant 0 : i32
      %dma_wait3A_38 = tpu.memref_slice %arg5[%mul3A_2, %dma_wait3A_37] : memref<10240x16xf32, #tpu.memory_space<hbm>> -> memref<320x16xf32, #tpu.memory_space<hbm>>
      tpu.wait_dma2 semaphore(%run_scoped3A : memref<!tpu.dma_semaphore, #tpu.memory_space<semaphore_mem>>) src(%arg10 : memref<320x16xf32, #tpu.memory_space<vmem>>) dst(%dma_wait3A_38 : memref<320x16xf32, #tpu.memory_space<hbm>>)
      tpu.yield
    }) : () -> ()
    return
  }
}

#map = affine_map<(d0, d1) -> (0, 0)>
#map1 = affine_map<(d0, d1) -> (0)>
module attributes {stable_mosaic.version = 14 : i64} {
  func.func @_sc_gather_body(%arg0: i32, %arg1: i32, %arg2: memref<10000x128xf32, #tpu.memory_space<hbm>>, %arg3: memref<160000xi32, #tpu.memory_space<hbm>>, %arg4: memref<160000x128xf32, #tpu.memory_space<hbm>>, %arg5: memref<4992xi32, #tpu.memory_space<vmem>>, %arg6: memref<128xi32, #tpu.memory_space<vmem>>, %arg7: memref<128x128xf32, #tpu.memory_space<vmem>>, %arg8: memref<128x128xf32, #tpu.memory_space<vmem>>, %arg9: memref<!tpu.dma_semaphore, #tpu.memory_space<semaphore_mem>>, %arg10: memref<!tpu.dma_semaphore, #tpu.memory_space<semaphore_mem>>) attributes {dimension_semantics = [#tpu.dimension_semantics<core_parallel>, #tpu.dimension_semantics<subcore_parallel>], iteration_bounds = array<i64: 2, 16>, scalar_prefetch = 0 : i64, scratch_operands = 6 : i64, tpu.core_type = #tpu.core_type<sc_vector_subcore>, window_params = [{transform_indices = #map}, {transform_indices = #map1}, {transform_indices = #map}]} {
    %mul3A = arith.constant 16 : i32
    %mul3A_0 = arith.muli %arg0, %mul3A : i32
    %add3A = arith.addi %mul3A_0, %arg1 : i32
    %mul3A_1 = arith.constant 39 : i32
    %mul3A_2 = arith.muli %add3A, %mul3A_1 : i32
    %mul3A_3 = arith.constant 128 : i32
    %mul3A_4 = arith.muli %mul3A_2, %mul3A_3 : i32
    "tpu.region"() ({
      %run_scoped3A = tpu.sem_alloc : memref<!tpu.dma_semaphore, #tpu.memory_space<semaphore_mem>>
      %dma_start3A_22 = tpu.memref_slice %arg3[%mul3A_4] : memref<160000xi32, #tpu.memory_space<hbm>> -> memref<4992xi32, #tpu.memory_space<hbm>>
      %dma_start3A_23 = tpu.memref_slice %arg3[%mul3A_4] : memref<160000xi32, #tpu.memory_space<hbm>> -> memref<4992xi32, #tpu.memory_space<hbm>>
      tpu.enqueue_dma source(%dma_start3A_23 : memref<4992xi32, #tpu.memory_space<hbm>>) target(%arg5 : memref<4992xi32, #tpu.memory_space<vmem>>) target_semaphore(%run_scoped3A : memref<!tpu.dma_semaphore, #tpu.memory_space<semaphore_mem>>)
      %dma_wait3A_24 = tpu.memref_slice %arg3[%mul3A_4] : memref<160000xi32, #tpu.memory_space<hbm>> -> memref<4992xi32, #tpu.memory_space<hbm>>
      %dma_wait3A_25 = tpu.memref_slice %arg3[%mul3A_4] : memref<160000xi32, #tpu.memory_space<hbm>> -> memref<4992xi32, #tpu.memory_space<hbm>>
      tpu.wait_dma2 semaphore(%run_scoped3A : memref<!tpu.dma_semaphore, #tpu.memory_space<semaphore_mem>>) src(%dma_wait3A_25 : memref<4992xi32, #tpu.memory_space<hbm>>) dst(%arg5 : memref<4992xi32, #tpu.memory_space<vmem>>)
      tpu.yield
    }) : () -> ()
    %dma_start3A = arith.constant 0 : i32
    %dma_start3A_5 = tpu.memref_slice %arg5[%dma_start3A] : memref<4992xi32, #tpu.memory_space<vmem>> -> memref<128xi32, #tpu.memory_space<vmem>>
    %dma_start3A_6 = arith.constant 0 : i32
    %dma_start3A_7 = arith.constant 0 : i32
    %dma_start3A_8 = tpu.memref_slice %arg2[%dma_start3A_6, %dma_start3A_7] : memref<10000x128xf32, #tpu.memory_space<hbm>> -> memref<10000x128xf32, #tpu.memory_space<hbm>>
    tpu.enqueue_indirect_dma source(%dma_start3A_8 : memref<10000x128xf32, #tpu.memory_space<hbm>>) target(%arg7 : memref<128x128xf32, #tpu.memory_space<vmem>>) offsets(%dma_start3A_5 : memref<128xi32, #tpu.memory_space<vmem>>) semaphore(%arg9 : memref<!tpu.dma_semaphore, #tpu.memory_space<semaphore_mem>>)
    %scan3A = arith.constant 0 : i32
    %scan3A_9 = arith.constant 0 : i32
    %scan3A_10 = arith.constant 19 : i32
    %scan3A_11 = arith.addi %scan3A_9, %scan3A_10 : i32
    %scan3A_12 = arith.constant 1 : i32
    scf.for %scan3A_22 = %scan3A_9 to %scan3A_11 step %scan3A_12  : i32 {
      %mul3A_23 = arith.constant 2 : i32
      %mul3A_24 = arith.muli %mul3A_23, %scan3A_22 : i32
      %mul3A_25 = arith.constant 128 : i32
      %mul3A_26 = arith.muli %mul3A_24, %mul3A_25 : i32
      %dma_wait3A_27 = tpu.memref_slice %arg5[%mul3A_26] : memref<4992xi32, #tpu.memory_space<vmem>> -> memref<128xi32, #tpu.memory_space<vmem>>
      %dma_wait3A_28 = arith.constant 0 : i32
      %dma_wait3A_29 = arith.constant 0 : i32
      %dma_wait3A_30 = tpu.memref_slice %arg2[%dma_wait3A_28, %dma_wait3A_29] : memref<10000x128xf32, #tpu.memory_space<hbm>> -> memref<10000x128xf32, #tpu.memory_space<hbm>>
      tpu.wait_indirect_dma semaphore(%arg9 : memref<!tpu.dma_semaphore, #tpu.memory_space<semaphore_mem>>) src(%dma_wait3A_30 : memref<10000x128xf32, #tpu.memory_space<hbm>>) dst(%arg7 : memref<128x128xf32, #tpu.memory_space<vmem>>)
      %add3A_31 = arith.constant 1 : i32
      %add3A_32 = arith.addi %mul3A_24, %add3A_31 : i32
      %mul3A_33 = arith.constant 128 : i32
      %mul3A_34 = arith.muli %add3A_32, %mul3A_33 : i32
      %dma_start3A_35 = tpu.memref_slice %arg5[%mul3A_34] : memref<4992xi32, #tpu.memory_space<vmem>> -> memref<128xi32, #tpu.memory_space<vmem>>
      %dma_start3A_36 = arith.constant 0 : i32
      %dma_start3A_37 = arith.constant 0 : i32
      %dma_start3A_38 = tpu.memref_slice %arg2[%dma_start3A_36, %dma_start3A_37] : memref<10000x128xf32, #tpu.memory_space<hbm>> -> memref<10000x128xf32, #tpu.memory_space<hbm>>
      tpu.enqueue_indirect_dma source(%dma_start3A_38 : memref<10000x128xf32, #tpu.memory_space<hbm>>) target(%arg8 : memref<128x128xf32, #tpu.memory_space<vmem>>) offsets(%dma_start3A_35 : memref<128xi32, #tpu.memory_space<vmem>>) semaphore(%arg10 : memref<!tpu.dma_semaphore, #tpu.memory_space<semaphore_mem>>)
      %mul3A_39 = arith.constant 128 : i32
      %mul3A_40 = arith.muli %mul3A_24, %mul3A_39 : i32
      %add3A_41 = arith.addi %mul3A_4, %mul3A_40 : i32
      "tpu.region"() ({
        %run_scoped3A = tpu.sem_alloc : memref<!tpu.dma_semaphore, #tpu.memory_space<semaphore_mem>>
        %dma_start3A_62 = arith.constant 0 : i32
        %dma_start3A_63 = tpu.memref_slice %arg4[%add3A_41, %dma_start3A_62] : memref<160000x128xf32, #tpu.memory_space<hbm>> -> memref<128x128xf32, #tpu.memory_space<hbm>>
        %dma_start3A_64 = arith.constant 0 : i32
        %dma_start3A_65 = tpu.memref_slice %arg4[%add3A_41, %dma_start3A_64] : memref<160000x128xf32, #tpu.memory_space<hbm>> -> memref<128x128xf32, #tpu.memory_space<hbm>>
        tpu.enqueue_dma source(%arg7 : memref<128x128xf32, #tpu.memory_space<vmem>>) target(%dma_start3A_65 : memref<128x128xf32, #tpu.memory_space<hbm>>) target_semaphore(%run_scoped3A : memref<!tpu.dma_semaphore, #tpu.memory_space<semaphore_mem>>)
        %dma_wait3A_66 = arith.constant 0 : i32
        %dma_wait3A_67 = tpu.memref_slice %arg4[%add3A_41, %dma_wait3A_66] : memref<160000x128xf32, #tpu.memory_space<hbm>> -> memref<128x128xf32, #tpu.memory_space<hbm>>
        %dma_wait3A_68 = arith.constant 0 : i32
        %dma_wait3A_69 = tpu.memref_slice %arg4[%add3A_41, %dma_wait3A_68] : memref<160000x128xf32, #tpu.memory_space<hbm>> -> memref<128x128xf32, #tpu.memory_space<hbm>>
        tpu.wait_dma2 semaphore(%run_scoped3A : memref<!tpu.dma_semaphore, #tpu.memory_space<semaphore_mem>>) src(%arg7 : memref<128x128xf32, #tpu.memory_space<vmem>>) dst(%dma_wait3A_69 : memref<128x128xf32, #tpu.memory_space<hbm>>)
        tpu.yield
      }) : () -> ()
      %add3A_42 = arith.constant 1 : i32
      %add3A_43 = arith.addi %mul3A_24, %add3A_42 : i32
      %mul3A_44 = arith.constant 128 : i32
      %mul3A_45 = arith.muli %add3A_43, %mul3A_44 : i32
      %dma_wait3A_46 = tpu.memref_slice %arg5[%mul3A_45] : memref<4992xi32, #tpu.memory_space<vmem>> -> memref<128xi32, #tpu.memory_space<vmem>>
      %dma_wait3A_47 = arith.constant 0 : i32
      %dma_wait3A_48 = arith.constant 0 : i32
      %dma_wait3A_49 = tpu.memref_slice %arg2[%dma_wait3A_47, %dma_wait3A_48] : memref<10000x128xf32, #tpu.memory_space<hbm>> -> memref<10000x128xf32, #tpu.memory_space<hbm>>
      tpu.wait_indirect_dma semaphore(%arg10 : memref<!tpu.dma_semaphore, #tpu.memory_space<semaphore_mem>>) src(%dma_wait3A_49 : memref<10000x128xf32, #tpu.memory_space<hbm>>) dst(%arg8 : memref<128x128xf32, #tpu.memory_space<vmem>>)
      %add3A_50 = arith.constant 2 : i32
      %add3A_51 = arith.addi %mul3A_24, %add3A_50 : i32
      %lt3A_52 = arith.constant 39 : i32
      %lt3A_53 = arith.cmpi slt, %add3A_51, %lt3A_52 : i32
      %convert_element_type3A_54 = arith.extui %lt3A_53 : i1 to i32
      %cond3A_55 = arith.constant 0 : i32
      %cond3A_56 = arith.cmpi ne, %convert_element_type3A_54, %cond3A_55 : i32
      scf.if %cond3A_56 {
        %add3A_62 = arith.constant 2 : i32
        %add3A_63 = arith.addi %mul3A_24, %add3A_62 : i32
        %mul3A_64 = arith.constant 128 : i32
        %mul3A_65 = arith.muli %add3A_63, %mul3A_64 : i32
        %dma_start3A_66 = tpu.memref_slice %arg5[%mul3A_65] : memref<4992xi32, #tpu.memory_space<vmem>> -> memref<128xi32, #tpu.memory_space<vmem>>
        %dma_start3A_67 = arith.constant 0 : i32
        %dma_start3A_68 = arith.constant 0 : i32
        %dma_start3A_69 = tpu.memref_slice %arg2[%dma_start3A_67, %dma_start3A_68] : memref<10000x128xf32, #tpu.memory_space<hbm>> -> memref<10000x128xf32, #tpu.memory_space<hbm>>
        tpu.enqueue_indirect_dma source(%dma_start3A_69 : memref<10000x128xf32, #tpu.memory_space<hbm>>) target(%arg7 : memref<128x128xf32, #tpu.memory_space<vmem>>) offsets(%dma_start3A_66 : memref<128xi32, #tpu.memory_space<vmem>>) semaphore(%arg9 : memref<!tpu.dma_semaphore, #tpu.memory_space<semaphore_mem>>)
      } else {
      }
      %add3A_57 = arith.constant 1 : i32
      %add3A_58 = arith.addi %mul3A_24, %add3A_57 : i32
      %mul3A_59 = arith.constant 128 : i32
      %mul3A_60 = arith.muli %add3A_58, %mul3A_59 : i32
      %add3A_61 = arith.addi %mul3A_4, %mul3A_60 : i32
      "tpu.region"() ({
        %run_scoped3A = tpu.sem_alloc : memref<!tpu.dma_semaphore, #tpu.memory_space<semaphore_mem>>
        %dma_start3A_62 = arith.constant 0 : i32
        %dma_start3A_63 = tpu.memref_slice %arg4[%add3A_61, %dma_start3A_62] : memref<160000x128xf32, #tpu.memory_space<hbm>> -> memref<128x128xf32, #tpu.memory_space<hbm>>
        %dma_start3A_64 = arith.constant 0 : i32
        %dma_start3A_65 = tpu.memref_slice %arg4[%add3A_61, %dma_start3A_64] : memref<160000x128xf32, #tpu.memory_space<hbm>> -> memref<128x128xf32, #tpu.memory_space<hbm>>
        tpu.enqueue_dma source(%arg8 : memref<128x128xf32, #tpu.memory_space<vmem>>) target(%dma_start3A_65 : memref<128x128xf32, #tpu.memory_space<hbm>>) target_semaphore(%run_scoped3A : memref<!tpu.dma_semaphore, #tpu.memory_space<semaphore_mem>>)
        %dma_wait3A_66 = arith.constant 0 : i32
        %dma_wait3A_67 = tpu.memref_slice %arg4[%add3A_61, %dma_wait3A_66] : memref<160000x128xf32, #tpu.memory_space<hbm>> -> memref<128x128xf32, #tpu.memory_space<hbm>>
        %dma_wait3A_68 = arith.constant 0 : i32
        %dma_wait3A_69 = tpu.memref_slice %arg4[%add3A_61, %dma_wait3A_68] : memref<160000x128xf32, #tpu.memory_space<hbm>> -> memref<128x128xf32, #tpu.memory_space<hbm>>
        tpu.wait_dma2 semaphore(%run_scoped3A : memref<!tpu.dma_semaphore, #tpu.memory_space<semaphore_mem>>) src(%arg8 : memref<128x128xf32, #tpu.memory_space<vmem>>) dst(%dma_wait3A_69 : memref<128x128xf32, #tpu.memory_space<hbm>>)
        tpu.yield
      }) : () -> ()
    }
    %scan3A_13 = arith.constant 19 : i32
    %dma_wait3A = arith.constant 4864 : i32
    %dma_wait3A_14 = tpu.memref_slice %arg5[%dma_wait3A] : memref<4992xi32, #tpu.memory_space<vmem>> -> memref<128xi32, #tpu.memory_space<vmem>>
    %dma_wait3A_15 = arith.constant 0 : i32
    %dma_wait3A_16 = arith.constant 0 : i32
    %dma_wait3A_17 = tpu.memref_slice %arg2[%dma_wait3A_15, %dma_wait3A_16] : memref<10000x128xf32, #tpu.memory_space<hbm>> -> memref<10000x128xf32, #tpu.memory_space<hbm>>
    tpu.wait_indirect_dma semaphore(%arg9 : memref<!tpu.dma_semaphore, #tpu.memory_space<semaphore_mem>>) src(%dma_wait3A_17 : memref<10000x128xf32, #tpu.memory_space<hbm>>) dst(%arg7 : memref<128x128xf32, #tpu.memory_space<vmem>>)
    %add3A_18 = arith.constant 4864 : i32
    %add3A_19 = arith.addi %mul3A_4, %add3A_18 : i32
    "tpu.region"() ({
      %run_scoped3A = tpu.sem_alloc : memref<!tpu.dma_semaphore, #tpu.memory_space<semaphore_mem>>
      %dma_start3A_22 = arith.constant 0 : i32
      %dma_start3A_23 = tpu.memref_slice %arg4[%add3A_19, %dma_start3A_22] : memref<160000x128xf32, #tpu.memory_space<hbm>> -> memref<128x128xf32, #tpu.memory_space<hbm>>
      %dma_start3A_24 = arith.constant 0 : i32
      %dma_start3A_25 = tpu.memref_slice %arg4[%add3A_19, %dma_start3A_24] : memref<160000x128xf32, #tpu.memory_space<hbm>> -> memref<128x128xf32, #tpu.memory_space<hbm>>
      tpu.enqueue_dma source(%arg7 : memref<128x128xf32, #tpu.memory_space<vmem>>) target(%dma_start3A_25 : memref<128x128xf32, #tpu.memory_space<hbm>>) target_semaphore(%run_scoped3A : memref<!tpu.dma_semaphore, #tpu.memory_space<semaphore_mem>>)
      %dma_wait3A_26 = arith.constant 0 : i32
      %dma_wait3A_27 = tpu.memref_slice %arg4[%add3A_19, %dma_wait3A_26] : memref<160000x128xf32, #tpu.memory_space<hbm>> -> memref<128x128xf32, #tpu.memory_space<hbm>>
      %dma_wait3A_28 = arith.constant 0 : i32
      %dma_wait3A_29 = tpu.memref_slice %arg4[%add3A_19, %dma_wait3A_28] : memref<160000x128xf32, #tpu.memory_space<hbm>> -> memref<128x128xf32, #tpu.memory_space<hbm>>
      tpu.wait_dma2 semaphore(%run_scoped3A : memref<!tpu.dma_semaphore, #tpu.memory_space<semaphore_mem>>) src(%arg7 : memref<128x128xf32, #tpu.memory_space<vmem>>) dst(%dma_wait3A_29 : memref<128x128xf32, #tpu.memory_space<hbm>>)
      tpu.yield
    }) : () -> ()
    %lt3A = arith.constant 2 : i32
    %lt3A_20 = arith.cmpi slt, %add3A, %lt3A : i32
    %convert_element_type3A = arith.extui %lt3A_20 : i1 to i32
    %cond3A = arith.constant 0 : i32
    %cond3A_21 = arith.cmpi ne, %convert_element_type3A, %cond3A : i32
    scf.if %cond3A_21 {
      %add3A_22 = arith.constant 1248 : i32
      %add3A_23 = arith.addi %add3A_22, %add3A : i32
      %mul3A_24 = arith.constant 128 : i32
      %mul3A_25 = arith.muli %add3A_23, %mul3A_24 : i32
      "tpu.region"() ({
        %run_scoped3A = tpu.sem_alloc : memref<!tpu.dma_semaphore, #tpu.memory_space<semaphore_mem>>
        %dma_start3A_32 = tpu.memref_slice %arg3[%mul3A_25] : memref<160000xi32, #tpu.memory_space<hbm>> -> memref<128xi32, #tpu.memory_space<hbm>>
        %dma_start3A_33 = tpu.memref_slice %arg3[%mul3A_25] : memref<160000xi32, #tpu.memory_space<hbm>> -> memref<128xi32, #tpu.memory_space<hbm>>
        tpu.enqueue_dma source(%dma_start3A_33 : memref<128xi32, #tpu.memory_space<hbm>>) target(%arg6 : memref<128xi32, #tpu.memory_space<vmem>>) target_semaphore(%run_scoped3A : memref<!tpu.dma_semaphore, #tpu.memory_space<semaphore_mem>>)
        %dma_wait3A_34 = tpu.memref_slice %arg3[%mul3A_25] : memref<160000xi32, #tpu.memory_space<hbm>> -> memref<128xi32, #tpu.memory_space<hbm>>
        %dma_wait3A_35 = tpu.memref_slice %arg3[%mul3A_25] : memref<160000xi32, #tpu.memory_space<hbm>> -> memref<128xi32, #tpu.memory_space<hbm>>
        tpu.wait_dma2 semaphore(%run_scoped3A : memref<!tpu.dma_semaphore, #tpu.memory_space<semaphore_mem>>) src(%dma_wait3A_35 : memref<128xi32, #tpu.memory_space<hbm>>) dst(%arg6 : memref<128xi32, #tpu.memory_space<vmem>>)
        tpu.yield
      }) : () -> ()
      %dma_start3A_26 = arith.constant 0 : i32
      %dma_start3A_27 = arith.constant 0 : i32
      %dma_start3A_28 = tpu.memref_slice %arg2[%dma_start3A_26, %dma_start3A_27] : memref<10000x128xf32, #tpu.memory_space<hbm>> -> memref<10000x128xf32, #tpu.memory_space<hbm>>
      tpu.enqueue_indirect_dma source(%dma_start3A_28 : memref<10000x128xf32, #tpu.memory_space<hbm>>) target(%arg7 : memref<128x128xf32, #tpu.memory_space<vmem>>) offsets(%arg6 : memref<128xi32, #tpu.memory_space<vmem>>) semaphore(%arg9 : memref<!tpu.dma_semaphore, #tpu.memory_space<semaphore_mem>>)
      %dma_wait3A_29 = arith.constant 0 : i32
      %dma_wait3A_30 = arith.constant 0 : i32
      %dma_wait3A_31 = tpu.memref_slice %arg2[%dma_wait3A_29, %dma_wait3A_30] : memref<10000x128xf32, #tpu.memory_space<hbm>> -> memref<10000x128xf32, #tpu.memory_space<hbm>>
      tpu.wait_indirect_dma semaphore(%arg9 : memref<!tpu.dma_semaphore, #tpu.memory_space<semaphore_mem>>) src(%dma_wait3A_31 : memref<10000x128xf32, #tpu.memory_space<hbm>>) dst(%arg7 : memref<128x128xf32, #tpu.memory_space<vmem>>)
      "tpu.region"() ({
        %run_scoped3A = tpu.sem_alloc : memref<!tpu.dma_semaphore, #tpu.memory_space<semaphore_mem>>
        %dma_start3A_32 = arith.constant 0 : i32
        %dma_start3A_33 = tpu.memref_slice %arg4[%mul3A_25, %dma_start3A_32] : memref<160000x128xf32, #tpu.memory_space<hbm>> -> memref<128x128xf32, #tpu.memory_space<hbm>>
        %dma_start3A_34 = arith.constant 0 : i32
        %dma_start3A_35 = tpu.memref_slice %arg4[%mul3A_25, %dma_start3A_34] : memref<160000x128xf32, #tpu.memory_space<hbm>> -> memref<128x128xf32, #tpu.memory_space<hbm>>
        tpu.enqueue_dma source(%arg7 : memref<128x128xf32, #tpu.memory_space<vmem>>) target(%dma_start3A_35 : memref<128x128xf32, #tpu.memory_space<hbm>>) target_semaphore(%run_scoped3A : memref<!tpu.dma_semaphore, #tpu.memory_space<semaphore_mem>>)
        %dma_wait3A_36 = arith.constant 0 : i32
        %dma_wait3A_37 = tpu.memref_slice %arg4[%mul3A_25, %dma_wait3A_36] : memref<160000x128xf32, #tpu.memory_space<hbm>> -> memref<128x128xf32, #tpu.memory_space<hbm>>
        %dma_wait3A_38 = arith.constant 0 : i32
        %dma_wait3A_39 = tpu.memref_slice %arg4[%mul3A_25, %dma_wait3A_38] : memref<160000x128xf32, #tpu.memory_space<hbm>> -> memref<128x128xf32, #tpu.memory_space<hbm>>
        tpu.wait_dma2 semaphore(%run_scoped3A : memref<!tpu.dma_semaphore, #tpu.memory_space<semaphore_mem>>) src(%arg7 : memref<128x128xf32, #tpu.memory_space<vmem>>) dst(%dma_wait3A_39 : memref<128x128xf32, #tpu.memory_space<hbm>>)
        tpu.yield
      }) : () -> ()
    } else {
    }
    return
  }
}

module attributes {stable_mosaic.version = 14 : i64} {
  func.func @_tc_edge_body(%arg0: i32, %arg1: memref<2000x128xf32, #tpu.memory_space<vmem>>, %arg2: memref<2000x1xi32, #tpu.memory_space<vmem>>, %arg3: memref<2000x1xf32, #tpu.memory_space<vmem>>, %arg4: memref<200x128xf32, #tpu.memory_space<vmem>>, %arg5: memref<3x128xf32, #tpu.memory_space<vmem>>, %arg6: memref<1x128xf32, #tpu.memory_space<vmem>>, %arg7: memref<128x128xf32, #tpu.memory_space<vmem>>, %arg8: memref<1x128xf32, #tpu.memory_space<vmem>>, %arg9: memref<2000x128xf32, #tpu.memory_space<vmem>>) attributes {dimension_semantics = [#tpu.dimension_semantics<arbitrary>], iteration_bounds = array<i64: 80>, scalar_prefetch = 0 : i64, scratch_operands = 0 : i64, tpu.core_type = #tpu.core_type<tc>, window_params = [{transform_indices = @transform_0, window_bounds = array<i64: 2000, 128>}, {transform_indices = @transform_1, window_bounds = array<i64: 2000, 1>}, {transform_indices = @transform_2, window_bounds = array<i64: 2000, 1>}, {pipeline_mode = #tpu.pipeline_mode<synchronous>, transform_indices = @transform_3, window_bounds = array<i64: 200, 128>}, {pipeline_mode = #tpu.pipeline_mode<synchronous>, transform_indices = @transform_4, window_bounds = array<i64: 3, 128>}, {pipeline_mode = #tpu.pipeline_mode<synchronous>, transform_indices = @transform_5, window_bounds = array<i64: 1, 128>}, {pipeline_mode = #tpu.pipeline_mode<synchronous>, transform_indices = @transform_6, window_bounds = array<i64: 128, 128>}, {pipeline_mode = #tpu.pipeline_mode<synchronous>, transform_indices = @transform_7, window_bounds = array<i64: 1, 128>}, {transform_indices = @transform_8, window_bounds = array<i64: 2000, 128>}]} {
    %get3A = arith.constant 0 : index
    %get3A_0 = arith.constant 0 : index
    %get3A_1 = vector.load %arg1[%get3A, %get3A_0] : memref<2000x128xf32, #tpu.memory_space<vmem>>, vector<2000x128xf32>
    %get3A_2 = arith.constant 0 : index
    %get3A_3 = arith.constant 0 : index
    %get3A_4 = vector.load %arg2[%get3A_2, %get3A_3] : memref<2000x1xi32, #tpu.memory_space<vmem>>, vector<2000x1xi32>
    %iota3A = tpu.iota {dimensions = array<i32: 1>} : vector<2000x200xi32>
    %eq3A = vector.broadcast %get3A_4 : vector<2000x1xi32> to vector<2000x200xi32>
    %eq3A_5 = arith.cmpi eq, %iota3A, %eq3A : vector<2000x200xi32>
    %convert_element_type3A = arith.extui %eq3A_5 : vector<2000x200xi1> to vector<2000x200xi32>
    %convert_element_type3A_6 = arith.sitofp %convert_element_type3A : vector<2000x200xi32> to vector<2000x200xf32>
    %get3A_7 = arith.constant 0 : index
    %get3A_8 = arith.constant 0 : index
    %get3A_9 = vector.load %arg4[%get3A_7, %get3A_8] : memref<200x128xf32, #tpu.memory_space<vmem>>, vector<200x128xf32>
    %dot_general3A = arith.constant dense<0.000000e+00> : vector<2000x128xf32>
    %dot_general3A_10 = tpu.matmul %convert_element_type3A_6, %get3A_9, %dot_general3A {dimension_numbers = #tpu.dot_dimension_numbers<[1], [0], [0], [1], [0, 0, 1, 1], [], []>, transpose_lhs_hint = false} : vector<2000x200xf32>, vector<200x128xf32>, vector<2000x128xf32> -> vector<2000x128xf32>
    %get3A_11 = arith.constant 0 : index
    %get3A_12 = arith.constant 0 : index
    %get3A_13 = vector.load %arg3[%get3A_11, %get3A_12] : memref<2000x1xf32, #tpu.memory_space<vmem>>, vector<2000x1xf32>
    %get3A_14 = arith.constant 1 : index
    %get3A_15 = arith.constant 0 : index
    %get3A_16 = vector.load %arg5[%get3A_14, %get3A_15] : memref<3x128xf32, #tpu.memory_space<vmem>>, vector<1x128xf32>
    %get3A_17 = arith.constant 2 : index
    %get3A_18 = arith.constant 0 : index
    %get3A_19 = vector.load %arg5[%get3A_17, %get3A_18] : memref<3x128xf32, #tpu.memory_space<vmem>>, vector<1x128xf32>
    %mul3A = vector.broadcast %get3A_19 : vector<1x128xf32> to vector<2000x128xf32>
    %mul3A_20 = vector.broadcast %get3A_13 : vector<2000x1xf32> to vector<2000x128xf32>
    %mul3A_21 = arith.mulf %mul3A, %mul3A_20 : vector<2000x128xf32>
    %add3A = vector.broadcast %get3A_16 : vector<1x128xf32> to vector<2000x128xf32>
    %add3A_22 = arith.addf %add3A, %mul3A_21 : vector<2000x128xf32>
    %get3A_23 = arith.constant 0 : index
    %get3A_24 = arith.constant 0 : index
    %get3A_25 = vector.load %arg5[%get3A_23, %get3A_24] : memref<3x128xf32, #tpu.memory_space<vmem>>, vector<1x128xf32>
    %mul3A_26 = arith.mulf %dot_general3A_10, %add3A_22 : vector<2000x128xf32>
    %add3A_27 = vector.broadcast %get3A_25 : vector<1x128xf32> to vector<2000x128xf32>
    %add3A_28 = arith.addf %add3A_27, %mul3A_26 : vector<2000x128xf32>
    %mul3A_29 = arith.mulf %get3A_1, %add3A_28 : vector<2000x128xf32>
    %get3A_30 = arith.constant 0 : index
    %get3A_31 = arith.constant 0 : index
    %get3A_32 = vector.load %arg6[%get3A_30, %get3A_31] : memref<1x128xf32, #tpu.memory_space<vmem>>, vector<1x128xf32>
    %add3A_33 = vector.broadcast %get3A_32 : vector<1x128xf32> to vector<2000x128xf32>
    %add3A_34 = arith.addf %mul3A_29, %add3A_33 : vector<2000x128xf32>
    %tanh3A = math.tanh %add3A_34 : vector<2000x128xf32>
    %get3A_35 = arith.constant 0 : index
    %get3A_36 = arith.constant 0 : index
    %get3A_37 = vector.load %arg7[%get3A_35, %get3A_36] : memref<128x128xf32, #tpu.memory_space<vmem>>, vector<128x128xf32>
    %dot_general3A_38 = arith.constant dense<0.000000e+00> : vector<2000x128xf32>
    %dot_general3A_39 = tpu.matmul %tanh3A, %get3A_37, %dot_general3A_38 {dimension_numbers = #tpu.dot_dimension_numbers<[1], [0], [0], [1], [0, 0, 1, 1], [], []>, transpose_lhs_hint = false} : vector<2000x128xf32>, vector<128x128xf32>, vector<2000x128xf32> -> vector<2000x128xf32>
    %get3A_40 = arith.constant 0 : index
    %get3A_41 = arith.constant 0 : index
    %get3A_42 = vector.load %arg8[%get3A_40, %get3A_41] : memref<1x128xf32, #tpu.memory_space<vmem>>, vector<1x128xf32>
    %add3A_43 = vector.broadcast %get3A_42 : vector<1x128xf32> to vector<2000x128xf32>
    %add3A_44 = arith.addf %dot_general3A_39, %add3A_43 : vector<2000x128xf32>
    %tanh3A_45 = math.tanh %add3A_44 : vector<2000x128xf32>
    %add3A_46 = arith.addf %tanh3A, %tanh3A_45 : vector<2000x128xf32>
    %swap3A = arith.constant 0 : index
    %swap3A_47 = arith.constant 0 : index
    %swap3A_48 = vector.load %arg9[%swap3A, %swap3A_47] : memref<2000x128xf32, #tpu.memory_space<vmem>>, vector<2000x128xf32>
    tpu.vector_store %arg9[%swap3A, %swap3A_47], %add3A_46 {strides = array<i32>} : memref<2000x128xf32, #tpu.memory_space<vmem>>, vector<2000x128xf32>,
    return
  }
  func.func @transform_0(%arg0: i32) -> (i32, i32) {
    %c0_i32 = arith.constant 0 : i32
    %c0_i32_0 = arith.constant 0 : i32
    return %arg0, %c0_i32 : i32, i32
  }
  func.func @transform_1(%arg0: i32) -> (i32, i32) {
    %c0_i32 = arith.constant 0 : i32
    %c0_i32_0 = arith.constant 0 : i32
    return %arg0, %c0_i32 : i32, i32
  }
  func.func @transform_2(%arg0: i32) -> (i32, i32) {
    %c0_i32 = arith.constant 0 : i32
    %c0_i32_0 = arith.constant 0 : i32
    return %arg0, %c0_i32 : i32, i32
  }
  func.func @transform_3(%arg0: i32) -> (i32, i32) {
    %c0_i32 = arith.constant 0 : i32
    %c0_i32_0 = arith.constant 0 : i32
    %c0_i32_1 = arith.constant 0 : i32
    return %c0_i32, %c0_i32_0 : i32, i32
  }
  func.func @transform_4(%arg0: i32) -> (i32, i32) {
    %c0_i32 = arith.constant 0 : i32
    %c0_i32_0 = arith.constant 0 : i32
    %c0_i32_1 = arith.constant 0 : i32
    return %c0_i32, %c0_i32_0 : i32, i32
  }
  func.func @transform_5(%arg0: i32) -> (i32, i32) {
    %c0_i32 = arith.constant 0 : i32
    %c0_i32_0 = arith.constant 0 : i32
    %c0_i32_1 = arith.constant 0 : i32
    return %c0_i32, %c0_i32_0 : i32, i32
  }
  func.func @transform_6(%arg0: i32) -> (i32, i32) {
    %c0_i32 = arith.constant 0 : i32
    %c0_i32_0 = arith.constant 0 : i32
    %c0_i32_1 = arith.constant 0 : i32
    return %c0_i32, %c0_i32_0 : i32, i32
  }
  func.func @transform_7(%arg0: i32) -> (i32, i32) {
    %c0_i32 = arith.constant 0 : i32
    %c0_i32_0 = arith.constant 0 : i32
    %c0_i32_1 = arith.constant 0 : i32
    return %c0_i32, %c0_i32_0 : i32, i32
  }
  func.func @transform_8(%arg0: i32) -> (i32, i32) {
    %c0_i32 = arith.constant 0 : i32
    %c0_i32_0 = arith.constant 0 : i32
    return %arg0, %c0_i32 : i32, i32
  }
}

module attributes {stable_mosaic.version = 14 : i64} {
  func.func @_tc_node_body(%arg0: i32, %arg1: memref<2000x128xf32, #tpu.memory_space<vmem>>, %arg2: memref<2000x128xf32, #tpu.memory_space<vmem>>, %arg3: memref<2000x16xf32, #tpu.memory_space<vmem>>, %arg4: memref<2000x128xf32, #tpu.memory_space<vmem>>, %arg5: memref<6x128xf32, #tpu.memory_space<vmem>>, %arg6: memref<1x128xf32, #tpu.memory_space<vmem>>, %arg7: memref<128x128xf32, #tpu.memory_space<vmem>>, %arg8: memref<1x128xf32, #tpu.memory_space<vmem>>, %arg9: memref<256x128xf32, #tpu.memory_space<vmem>>, %arg10: memref<1x128xf32, #tpu.memory_space<vmem>>, %arg11: memref<2000x128xf32, #tpu.memory_space<vmem>>) attributes {dimension_semantics = [#tpu.dimension_semantics<arbitrary>], iteration_bounds = array<i64: 5>, scalar_prefetch = 0 : i64, scratch_operands = 0 : i64, tpu.core_type = #tpu.core_type<tc>, window_params = [{transform_indices = @transform_0, window_bounds = array<i64: 2000, 128>}, {transform_indices = @transform_1, window_bounds = array<i64: 2000, 128>}, {transform_indices = @transform_2, window_bounds = array<i64: 2000, 16>}, {transform_indices = @transform_3, window_bounds = array<i64: 2000, 128>}, {pipeline_mode = #tpu.pipeline_mode<synchronous>, transform_indices = @transform_4, window_bounds = array<i64: 6, 128>}, {pipeline_mode = #tpu.pipeline_mode<synchronous>, transform_indices = @transform_5, window_bounds = array<i64: 1, 128>}, {pipeline_mode = #tpu.pipeline_mode<synchronous>, transform_indices = @transform_6, window_bounds = array<i64: 128, 128>}, {pipeline_mode = #tpu.pipeline_mode<synchronous>, transform_indices = @transform_7, window_bounds = array<i64: 1, 128>}, {pipeline_mode = #tpu.pipeline_mode<synchronous>, transform_indices = @transform_8, window_bounds = array<i64: 256, 128>}, {pipeline_mode = #tpu.pipeline_mode<synchronous>, transform_indices = @transform_9, window_bounds = array<i64: 1, 128>}, {transform_indices = @transform_10, window_bounds = array<i64: 2000, 128>}]} {
    %get3A = arith.constant 0 : index
    %get3A_0 = arith.constant 0 : index
    %get3A_1 = vector.load %arg3[%get3A, %get3A_0] : memref<2000x16xf32, #tpu.memory_space<vmem>>, vector<2000x1xf32>
    %get3A_2 = arith.constant 0 : index
    %get3A_3 = arith.constant 0 : index
    %get3A_4 = vector.load %arg2[%get3A_2, %get3A_3] : memref<2000x128xf32, #tpu.memory_space<vmem>>, vector<2000x128xf32>
    %max3A = arith.constant 1.000000e+00 : f32
    %max3A_5 = vector.broadcast %max3A : f32 to vector<2000x1xf32>
    %max3A_6 = arith.maximumf %get3A_1, %max3A_5 : vector<2000x1xf32>
    %div3A = vector.broadcast %max3A_6 : vector<2000x1xf32> to vector<2000x128xf32>
    %div3A_7 = arith.divf %get3A_4, %div3A : vector<2000x128xf32>
    %get3A_8 = arith.constant 0 : index
    %get3A_9 = arith.constant 0 : index
    %get3A_10 = vector.load %arg1[%get3A_8, %get3A_9] : memref<2000x128xf32, #tpu.memory_space<vmem>>, vector<2000x128xf32>
    %get3A_11 = arith.constant 0 : index
    %get3A_12 = arith.constant 0 : index
    %get3A_13 = vector.load %arg4[%get3A_11, %get3A_12] : memref<2000x128xf32, #tpu.memory_space<vmem>>, vector<2000x128xf32>
    %get3A_14 = arith.constant 0 : index
    %get3A_15 = arith.constant 0 : index
    %get3A_16 = vector.load %arg5[%get3A_14, %get3A_15] : memref<6x128xf32, #tpu.memory_space<vmem>>, vector<6x128xf32>
    %slice3A = vector.extract_strided_slice %get3A_16 {offsets = [0, 0], sizes = [1, 128], strides = [1, 1]} : vector<6x128xf32> to vector<1x128xf32>
    %slice3A_17 = vector.extract_strided_slice %get3A_16 {offsets = [1, 0], sizes = [1, 128], strides = [1, 1]} : vector<6x128xf32> to vector<1x128xf32>
    %mul3A = vector.broadcast %slice3A_17 : vector<1x128xf32> to vector<2000x128xf32>
    %mul3A_18 = arith.mulf %mul3A, %div3A_7 : vector<2000x128xf32>
    %add3A = vector.broadcast %slice3A : vector<1x128xf32> to vector<2000x128xf32>
    %add3A_19 = arith.addf %add3A, %mul3A_18 : vector<2000x128xf32>
    %slice3A_20 = vector.extract_strided_slice %get3A_16 {offsets = [2, 0], sizes = [1, 128], strides = [1, 1]} : vector<6x128xf32> to vector<1x128xf32>
    %mul3A_21 = vector.broadcast %slice3A_20 : vector<1x128xf32> to vector<2000x128xf32>
    %mul3A_22 = arith.mulf %mul3A_21, %get3A_13 : vector<2000x128xf32>
    %add3A_23 = arith.addf %add3A_19, %mul3A_22 : vector<2000x128xf32>
    %mul3A_24 = arith.mulf %get3A_10, %add3A_23 : vector<2000x128xf32>
    %slice3A_25 = vector.extract_strided_slice %get3A_16 {offsets = [3, 0], sizes = [1, 128], strides = [1, 1]} : vector<6x128xf32> to vector<1x128xf32>
    %slice3A_26 = vector.extract_strided_slice %get3A_16 {offsets = [5, 0], sizes = [1, 128], strides = [1, 1]} : vector<6x128xf32> to vector<1x128xf32>
    %mul3A_27 = vector.broadcast %slice3A_26 : vector<1x128xf32> to vector<2000x128xf32>
    %mul3A_28 = arith.mulf %mul3A_27, %get3A_13 : vector<2000x128xf32>
    %add3A_29 = vector.broadcast %slice3A_25 : vector<1x128xf32> to vector<2000x128xf32>
    %add3A_30 = arith.addf %add3A_29, %mul3A_28 : vector<2000x128xf32>
    %mul3A_31 = arith.mulf %div3A_7, %add3A_30 : vector<2000x128xf32>
    %add3A_32 = arith.addf %mul3A_24, %mul3A_31 : vector<2000x128xf32>
    %slice3A_33 = vector.extract_strided_slice %get3A_16 {offsets = [4, 0], sizes = [1, 128], strides = [1, 1]} : vector<6x128xf32> to vector<1x128xf32>
    %mul3A_34 = vector.broadcast %slice3A_33 : vector<1x128xf32> to vector<2000x128xf32>
    %mul3A_35 = arith.mulf %mul3A_34, %get3A_13 : vector<2000x128xf32>
    %add3A_36 = arith.addf %add3A_32, %mul3A_35 : vector<2000x128xf32>
    %get3A_37 = arith.constant 0 : index
    %get3A_38 = arith.constant 0 : index
    %get3A_39 = vector.load %arg6[%get3A_37, %get3A_38] : memref<1x128xf32, #tpu.memory_space<vmem>>, vector<1x128xf32>
    %add3A_40 = vector.broadcast %get3A_39 : vector<1x128xf32> to vector<2000x128xf32>
    %add3A_41 = arith.addf %add3A_36, %add3A_40 : vector<2000x128xf32>
    %tanh3A = math.tanh %add3A_41 : vector<2000x128xf32>
    %get3A_42 = arith.constant 0 : index
    %get3A_43 = arith.constant 0 : index
    %get3A_44 = vector.load %arg7[%get3A_42, %get3A_43] : memref<128x128xf32, #tpu.memory_space<vmem>>, vector<128x128xf32>
    %dot_general3A = arith.constant dense<0.000000e+00> : vector<2000x128xf32>
    %dot_general3A_45 = tpu.matmul %tanh3A, %get3A_44, %dot_general3A {dimension_numbers = #tpu.dot_dimension_numbers<[1], [0], [0], [1], [0, 0, 1, 1], [], []>, transpose_lhs_hint = false} : vector<2000x128xf32>, vector<128x128xf32>, vector<2000x128xf32> -> vector<2000x128xf32>
    %get3A_46 = arith.constant 0 : index
    %get3A_47 = arith.constant 0 : index
    %get3A_48 = vector.load %arg8[%get3A_46, %get3A_47] : memref<1x128xf32, #tpu.memory_space<vmem>>, vector<1x128xf32>
    %add3A_49 = vector.broadcast %get3A_48 : vector<1x128xf32> to vector<2000x128xf32>
    %add3A_50 = arith.addf %dot_general3A_45, %add3A_49 : vector<2000x128xf32>
    %tanh3A_51 = math.tanh %add3A_50 : vector<2000x128xf32>
    %add3A_52 = arith.addf %tanh3A, %tanh3A_51 : vector<2000x128xf32>
    %get3A_53 = arith.constant 0 : index
    %get3A_54 = arith.constant 0 : index
    %get3A_55 = vector.load %arg9[%get3A_53, %get3A_54] : memref<256x128xf32, #tpu.memory_space<vmem>>, vector<128x128xf32>
    %dot_general3A_56 = arith.constant dense<0.000000e+00> : vector<2000x128xf32>
    %dot_general3A_57 = tpu.matmul %get3A_10, %get3A_55, %dot_general3A_56 {dimension_numbers = #tpu.dot_dimension_numbers<[1], [0], [0], [1], [0, 0, 1, 1], [], []>, transpose_lhs_hint = false} : vector<2000x128xf32>, vector<128x128xf32>, vector<2000x128xf32> -> vector<2000x128xf32>
    %get3A_58 = arith.constant 128 : index
    %get3A_59 = arith.constant 0 : index
    %get3A_60 = vector.load %arg9[%get3A_58, %get3A_59] : memref<256x128xf32, #tpu.memory_space<vmem>>, vector<128x128xf32>
    %dot_general3A_61 = arith.constant dense<0.000000e+00> : vector<2000x128xf32>
    %dot_general3A_62 = tpu.matmul %add3A_52, %get3A_60, %dot_general3A_61 {dimension_numbers = #tpu.dot_dimension_numbers<[1], [0], [0], [1], [0, 0, 1, 1], [], []>, transpose_lhs_hint = false} : vector<2000x128xf32>, vector<128x128xf32>, vector<2000x128xf32> -> vector<2000x128xf32>
    %add3A_63 = arith.addf %dot_general3A_57, %dot_general3A_62 : vector<2000x128xf32>
    %get3A_64 = arith.constant 0 : index
    %get3A_65 = arith.constant 0 : index
    %get3A_66 = vector.load %arg10[%get3A_64, %get3A_65] : memref<1x128xf32, #tpu.memory_space<vmem>>, vector<1x128xf32>
    %add3A_67 = vector.broadcast %get3A_66 : vector<1x128xf32> to vector<2000x128xf32>
    %add3A_68 = arith.addf %add3A_63, %add3A_67 : vector<2000x128xf32>
    %logistic3A = arith.negf %add3A_68 : vector<2000x128xf32>
    %logistic3A_69 = math.exp %logistic3A : vector<2000x128xf32>
    %logistic3A_70 = arith.constant 1.000000e+00 : f32
    %logistic3A_71 = vector.broadcast %logistic3A_70 : f32 to vector<2000x128xf32>
    %logistic3A_72 = arith.addf %logistic3A_71, %logistic3A_69 : vector<2000x128xf32>
    %logistic3A_73 = arith.divf %logistic3A_71, %logistic3A_72 : vector<2000x128xf32>
    %sub3A = arith.constant 1.000000e+00 : f32
    %sub3A_74 = vector.broadcast %sub3A : f32 to vector<2000x128xf32>
    %sub3A_75 = arith.subf %sub3A_74, %logistic3A_73 : vector<2000x128xf32>
    %mul3A_76 = arith.mulf %sub3A_75, %get3A_10 : vector<2000x128xf32>
    %mul3A_77 = arith.mulf %logistic3A_73, %add3A_52 : vector<2000x128xf32>
    %add3A_78 = arith.addf %mul3A_76, %mul3A_77 : vector<2000x128xf32>
    %swap3A = arith.constant 0 : index
    %swap3A_79 = arith.constant 0 : index
    %swap3A_80 = vector.load %arg11[%swap3A, %swap3A_79] : memref<2000x128xf32, #tpu.memory_space<vmem>>, vector<2000x128xf32>
    tpu.vector_store %arg11[%swap3A, %swap3A_79], %add3A_78 {strides = array<i32>} : memref<2000x128xf32, #tpu.memory_space<vmem>>, vector<2000x128xf32>,
    return
  }
  func.func @transform_0(%arg0: i32) -> (i32, i32) {
    %c0_i32 = arith.constant 0 : i32
    %c0_i32_0 = arith.constant 0 : i32
    return %arg0, %c0_i32 : i32, i32
  }
  func.func @transform_1(%arg0: i32) -> (i32, i32) {
    %c0_i32 = arith.constant 0 : i32
    %c0_i32_0 = arith.constant 0 : i32
    return %arg0, %c0_i32 : i32, i32
  }
  func.func @transform_2(%arg0: i32) -> (i32, i32) {
    %c0_i32 = arith.constant 0 : i32
    %c0_i32_0 = arith.constant 0 : i32
    return %arg0, %c0_i32 : i32, i32
  }
  func.func @transform_3(%arg0: i32) -> (i32, i32) {
    %c0_i32 = arith.constant 0 : i32
    %c0_i32_0 = arith.constant 0 : i32
    return %arg0, %c0_i32 : i32, i32
  }
  func.func @transform_4(%arg0: i32) -> (i32, i32) {
    %c0_i32 = arith.constant 0 : i32
    %c0_i32_0 = arith.constant 0 : i32
    %c0_i32_1 = arith.constant 0 : i32
    return %c0_i32, %c0_i32_0 : i32, i32
  }
  func.func @transform_5(%arg0: i32) -> (i32, i32) {
    %c0_i32 = arith.constant 0 : i32
    %c0_i32_0 = arith.constant 0 : i32
    %c0_i32_1 = arith.constant 0 : i32
    return %c0_i32, %c0_i32_0 : i32, i32
  }
  func.func @transform_6(%arg0: i32) -> (i32, i32) {
    %c0_i32 = arith.constant 0 : i32
    %c0_i32_0 = arith.constant 0 : i32
    %c0_i32_1 = arith.constant 0 : i32
    return %c0_i32, %c0_i32_0 : i32, i32
  }
  func.func @transform_7(%arg0: i32) -> (i32, i32) {
    %c0_i32 = arith.constant 0 : i32
    %c0_i32_0 = arith.constant 0 : i32
    %c0_i32_1 = arith.constant 0 : i32
    return %c0_i32, %c0_i32_0 : i32, i32
  }
  func.func @transform_8(%arg0: i32) -> (i32, i32) {
    %c0_i32 = arith.constant 0 : i32
    %c0_i32_0 = arith.constant 0 : i32
    %c0_i32_1 = arith.constant 0 : i32
    return %c0_i32, %c0_i32_0 : i32, i32
  }
  func.func @transform_9(%arg0: i32) -> (i32, i32) {
    %c0_i32 = arith.constant 0 : i32
    %c0_i32_0 = arith.constant 0 : i32
    %c0_i32_1 = arith.constant 0 : i32
    return %c0_i32, %c0_i32_0 : i32, i32
  }
  func.func @transform_10(%arg0: i32) -> (i32, i32) {
    %c0_i32 = arith.constant 0 : i32
    %c0_i32_0 = arith.constant 0 : i32
    return %arg0, %c0_i32 : i32, i32
  }
}

</mosaic_0001>

<sc_bundles>
// kernel: kernel.6.cloned.1.call-start
scs
__scs_entry_jumppad:
0x0: {  	(pc) =	sbr.rel $0x88, $3  }
0x1: {  	(tag) =	ssettag $0x0;
	lr =	simm.s32 $0x1  }
0x2: {  	[smem:$0x3F92] =	sst lr;
	_ =	strace $0xD0000000  }
0x3: {  	_ = 	snop  }
0x4: {  	_ = 	snop  }
0x5: {  	_ = 	snop  }
0x6: {  	_ = 	snop  }
0x7: {  	_ = 	snop  }
__scs_overlays_trampoline_lowered:
0x8: {  	[smem:$0x3FA1] =	sst s0  }
0x9: {  	[smem:$0x3FA2] =	sst s1  }
0xa: {  	[smem:$0x3FA3] =	sst s2  }
0xb: {  	[smem:$0x3FA4] =	sst s3  }
0xc: {  	[smem:$0x3FA5] =	sst s4  }
0xd: {  	[smem:$0x3FA6] =	sst s5  }
0xe: {  	[smem:$0x3FA7] =	sst s6  }
0xf: {  	[smem:$0x3FA8] =	sst s7  }
0x10: {  	[smem:$0x3FA9] =	sst s8  }
0x11: {  	[smem:$0x3FAA] =	sst s9;
	s0 =	simm.s32 @!p0 $0x0  }
0x12: {  	s1 =	sld [smem:$0x3F90];
	s0 =	simm.s32 @p0 $0x1  }
0x13: {  	[smem:$0x3FAB] =	sst s0;
	s0 =	simm.s32 @!p1 $0x0  }
0x14: {  	s2 =	sld [smem:$0x3F8F];
	s0 =	simm.s32 @p1 $0x1  }
0x15: {  	[smem:$0x3FAC] =	sst s0;
	s0 =	simm.s32 @!p2 $0x0  }
0x16: {  	s3 =	sld [smem:$0x3FDB];
	s0 =	simm.s32 @p2 $0x1  }
0x17: {  	s4 =	simm.s32 $0x1BF5;
	[smem:$0x3FAE] =	sst s0  }
0x18: {  	s0 =	sld [smem:$0x3F91];
	_ =	swait.ge [sflag:s4], $0x0  }
0x19: {  	s7 =	sld [smem:$0x3F92]  }
0x1a: {  	s8 =	sadd.s32 $0xFFFFE003, lr  }
0x1b: {  	s9 =	sadd.s32 $0xFFFFFEF7, lr;
	s5 =	simm.s32 $0xFFFFFFFF;
	p2 =	slt.u32 s8, $0xFFFFF086  }
0x1c: {  	p1 =	slt.u32 s9, $0xF7A;
	s5 =	simm.s32 @!p2 $0x0  }
0x1d: {  	s5 =	simm.s32 @p1 $0x1;
	p0 =	seq.s32 s7, s2  }
0x1e: {  	s7 =	smul.u32 @!p0 $0xF7A, s2;
	p2 =	seq.s32 @!p0 s5, $0x0  }
0x1f: {  	s9 =	smul.u32 $0xF7A, s1;
	s8 =	simm.s32 @!p0 $0x1BF5;
	p2 =	por !p2, p0  }
0x20: {  	[sflag:s8] =	ssyncset.s32 @!p0 $0xFFFFF086;
	s6 =	sadd.s32 @!p0 s3, s7;
	s7 =	simm.s32 @!p0 $0x108  }
0x21: {  	s3 =	sadd.s32 s3, s9;
	s6 =	sadd.s32 @!p0 $0x88, s6;
	s7 =	simm.s32 @p2 $0x1082  }
0x22: {  	[simem:s7], [sflag:s8] =	dma.local @!p0 [hbm:s6], $0xF7A  }
0x23: {  	s9 =	sor.u32 $0xD0000000, s2;
	s6 =	simm.s32 $0x108;
	_ =	swait.ge @!p0 [sflag:s8], $0x0  }
0x24: {  	s3 =	sadd.s32 $0x88, s3;
	s6 =	simm.s32 @!p1 $0x1082;
	[sflag:s4] =	ssyncset.s32 $0xFFFFF086  }
0x25: {  	[simem:s6], [sflag:s4] =	dma.local [hbm:s3], $0xF7A  }
0x26: {  	[smem:$0x3F92] =	sst s1;
	(tag) =	ssettag s2;
	_ =	strace s9  }
0x27: {  	s1 =	sld [smem:$0x3FA2]  }
0x28: {  	s2 =	sld [smem:$0x3FA3]  }
0x29: {  	s4 =	sld [smem:$0x3FA5]  }
0x2a: {  	p0 =	seq.s32 s5, $0x0;
	s5 =	sld [smem:$0x3FA6]  }
0x2b: {  	s6 =	sld [smem:$0x3FA7]  }
0x2c: {  	s7 =	sld [smem:$0x3FA8]  }
0x2d: {  	s3 =	simm.s32 $0x108;
	s8 =	sld [smem:$0x3FA9]  }
0x2e: {  	s3 =	simm.s32 @!p0 $0x1082;
	s9 =	sld [smem:$0x3FAA]  }
0x2f: {  	lr =	sadd.s32 s0, s3;
	s0 =	sld [smem:$0x3FA1]  }
0x30: {  	s3 =	sld [smem:$0x3FA4]  }
0x31: {  	[smem:$0x3FAD] =	sst s10  }
0x32: {  	s10 =	sld [smem:$0x3FAB];
	_ =	sdelay $0x3  }
0x33: {  	p0 =	seq.s32 s10, $0x1;
	s10 =	sld [smem:$0x3FAD];
	_ =	sdelay $0x3  }
0x34: {  	[smem:$0x3FAD] =	sst s10  }
0x35: {  	s10 =	sld [smem:$0x3FAC];
	_ =	sdelay $0x3  }
0x36: {  	p1 =	seq.s32 s10, $0x1;
	s10 =	sld [smem:$0x3FAD];
	_ =	sdelay $0x3  }
0x37: {  	[smem:$0x3FAD] =	sst s10  }
0x38: {  	s10 =	sld [smem:$0x3FAE]  }
0x39: {  	_ = 	snop;
	(pc) =	sbr.ind lr, $3  }
0x3a: {  	_ = 	snop  }
0x3b: {  	_ = 	snop  }
0x3c: {  	p2 =	seq.s32 s10, $0x1;
	s10 =	sld [smem:$0x3FAD]  }
0x3d: {  	_ =	shalt  }
0x3e: {  	_ =	shalt  }
0x3f: {  	_ =	shalt  }
0x40: {  	_ =	shalt  }
0x41: {  	_ =	shalt  }
0x42: {  	_ =	shalt  }
0x43: {  	_ =	shalt  }
0x44: {  	_ =	shalt  }
0x45: {  	_ =	shalt  }
0x46: {  	_ =	shalt  }
0x47: {  	_ =	shalt  }
0x48: {  	_ =	shalt  }
0x49: {  	_ =	shalt  }
0x4a: {  	_ =	shalt  }
0x4b: {  	_ =	shalt  }
0x4c: {  	_ =	shalt  }
0x4d: {  	_ =	shalt  }
0x4e: {  	_ =	shalt  }
0x4f: {  	_ =	shalt  }
0x50: {  	_ =	shalt  }
0x51: {  	_ =	shalt  }
0x52: {  	_ =	shalt  }
0x53: {  	_ =	shalt  }
0x54: {  	_ =	shalt  }
0x55: {  	_ =	shalt  }
0x56: {  	_ =	shalt  }
0x57: {  	_ =	shalt  }
0x58: {  	_ =	shalt  }
0x59: {  	_ =	shalt  }
0x5a: {  	_ =	shalt  }
0x5b: {  	_ =	shalt  }
0x5c: {  	_ =	shalt  }
0x5d: {  	_ =	shalt  }
0x5e: {  	_ =	shalt  }
0x5f: {  	_ =	shalt  }
0x60: {  	_ =	shalt  }
0x61: {  	_ =	shalt  }
0x62: {  	_ =	shalt  }
0x63: {  	_ =	shalt  }
0x64: {  	_ =	shalt  }
0x65: {  	_ =	shalt  }
0x66: {  	_ =	shalt  }
0x67: {  	_ =	shalt  }
0x68: {  	_ =	shalt  }
0x69: {  	_ =	shalt  }
0x6a: {  	_ =	shalt  }
0x6b: {  	_ =	shalt  }
0x6c: {  	_ =	shalt  }
0x6d: {  	_ =	shalt  }
0x6e: {  	_ =	shalt  }
0x6f: {  	_ =	shalt  }
0x70: {  	_ =	shalt  }
0x71: {  	_ =	shalt  }
0x72: {  	_ =	shalt  }
0x73: {  	_ =	shalt  }
0x74: {  	_ =	shalt  }
0x75: {  	_ =	shalt  }
0x76: {  	_ =	shalt  }
0x77: {  	_ =	shalt  }
0x78: {  	_ =	shalt  }
0x79: {  	_ =	shalt  }
0x7a: {  	_ =	shalt  }
0x7b: {  	_ =	shalt  }
0x7c: {  	_ =	shalt  }
0x7d: {  	_ =	shalt  }
0x7e: {  	_ =	shalt  }
0x7f: {  	_ =	shalt  }
0x80: {  	_ =	shalt  }
0x81: {  	_ =	shalt  }
0x82: {  	_ =	shalt  }
0x83: {  	_ =	shalt  }
0x84: {  	_ =	shalt  }
0x85: {  	_ =	shalt  }
0x86: {  	_ =	shalt  }
0x87: {  	_ =	shalt  }
.Lfunc_end0:
.L_simem_size_0:
called_computation_lowered:
.L_overlay_start_0:
0x88: {  	s2 =	sld [smem:$0x3FD9]  }
0x89: {  	s3 =	sld [smem:$0x3FFE];
	_ =	sdelay $0x1  }
0x8a: {  	s1 =	srdreg.scid  }
0x8b: {  	s0 =	sand.u32 $0x1, s1  }
0x8c: {  	s17 =	sshll.u32 s0, $0xA;
	s2 =	sadd.s32 s3, s2  }
0x8d: {  	s2 =	sadd.s32 s2, s17  }
0x8e: {  	[smem:$0x3FB9] =	sst s2  }
0x8f: {  	_ = 	snop  }
0x90: {  	s2 =	sld [smem:$0x3FC9];
	(tm) =	ssettm $0x1  }
0x91: {  	s18 =	sld [smem:$0x3FFB];
	_ =	sdelay $0x3  }
0x92: {  	_ =	strace s18  }
0x93: {  	s3 =	sld [smem:$0x3FFC];
	_ =	sdelay $0x3  }
0x94: {  	_ =	strace s3  }
0x95: {  	s3 =	sld [smem:$0x3FFD];
	_ =	sdelay $0x3  }
0x96: {  	_ =	strace s3  }
0x97: {  	_ =	strace $0x8FFFFFFF  }
0x98: {  	s19 =	sld [smem:$0x3FDB];
	_ =	sdelay $0x1  }
0x99: {  	s4 =	simm.s32 $_scs_section_size  }
0x9a: {  	s5 =	simm.s32 $_size__tile_overlayer_lowered;
	s6 =	simm.s32 $_tile_overlayer_lowered  }
0x9b: {  	s22 =	simm.s32 $0x1BFF;
	s21 =	sshll.u32 s6, $0x1;
	s3 =	sadd.s32 s4, s19  }
0x9c: {  	s7 =	simm.s32 $0x0;
	s20 =	sshll.u32 s5, $0x1;
	s5 =	sadd.s32 s21, s3  }
0x9d: {  	[timem:s7], [sflag:s22] =	dma.local [hbm:s5], s20  }
0x9e: {  	_ =	swait.ge [sflag:s22], s20  }
0x9f: {  	s4 =	ssub.s32 $0x0, s20;
	[sflag:s22] =	ssyncset.done $0x0  }
0xa0: {  	[sflag:s22] =	ssyncadd.s32 s4;
	_ =	sdelay $0x1  }
0xa1: {  	s23 =	simm.s32 $0x1B8B  }
0xa2: {  	_ =	swait.ge [sflag:s23], $0x1  }
0xa3: {  	[sflag:s23] =	ssyncset.done $0x0  }
0xa4: {  	s25 =	simm.s32 $0x1B8E;
	s24 =	sld [smem:$0x3FFE];
	[sflag:s23] =	ssyncadd.s32 $0xFFFFFFFF  }
0xa5: {  	s26 =	simm.s32 $execute0_lowered;
	[smem:$0x3FD2] =	sst s25  }
0xa6: {  	s5 =	sshll.u32 s26, $0x1;
	_ =	strace $0x80000046;
	[dreg:$0x1] =	wrdreg $0xFFFFFFFF  }
0xa7: {  	s28 =	simm.s32 $_size_execute0_lowered;
	s3 =	sadd.s32 s3, s5;
	[dreg:$0x0] =	wrdreg $0x0  }
0xa8: {  	s5 =	sshll.u32 s28, $0x1;
	[dreg:$0x2] =	wrdreg s3  }
0xa9: {  	[dreg:$0x3] =	wrdreg s5  }
0xaa: {  	[dreg:$0x4] =	wrdreg $0xC0  }
0xab: {  	_ =	task [dreg:s7], $0x5FFFF  }
0xac: {  	[dreg:$0x1] =	wrdreg $0xFFFFFFFF  }
0xad: {  	[dreg:$0x0] =	wrdreg $0x60  }
0xae: {  	[dreg:$0x2] =	wrdreg s2  }
0xaf: {  	[dreg:$0x3] =	wrdreg s24  }
0xb0: {  	[dreg:$0x4] =	wrdreg $0x9  }
0xb1: {  	_ =	task.clear_ibuf [dreg:s7], $0x5FFFF;
	_ =	strace $0x90000046  }
0xb2: {  	s29 =	simm.s32 $0x9;
	_ =	strace $0x80000048  }
0xb3: {  	_ =	swait.ge [sflag:s29], $0x1  }
0xb4: {  	[sflag:s29] =	ssyncadd.s32 $0xFFFFFFFF  }
0xb5: {  	_ =	strace $0x90000048  }
0xb6: {  	_ =	sfence  }
0xb7: {  	s30 =	sld [smem:$0x0];
	_ =	sdelay $0x2  }
0xb8: {  	s31 =	sshll.u32 s1, $0xD;
	s1 =	sshrl.u32 s1, $0x2  }
0xb9: {  	s3 =	sand.u32 $0x4000, s31;
	s1 =	sadd.s32 s1, s30  }
0xba: {  	s0 =	sor.u32 s3, s0;
	s1 =	sshll.u32 s1, $0x11  }
0xbb: {  	s0 =	sor.u32 s1, s0  }
0xbc: {  	s0 =	sadd.s32 $0x8F2B, s0  }
0xbd: {  	[sflag:s0] =	ssyncadd.remote.s32 $0x1  }
0xbe: {  	_ =	sfence.sel $0xFFFF  }
0xbf: {  	[dreg:$0x0] =	wrdreg $0xFFFFFFFF;
	(pc) =	sbr.abs _section_cstart, $3  }
0xc0: {  	[dreg:$0x1] =	wrdreg $0xFFFFFFFF  }
0xc1: {  	_ =	task.clear_ibuf [dreg:s7], $0x2FFFF;
	_ =	strace $0x9FFFFFFF  }
0xc2: {  	(tm) =	ssettm $0x7FFFFFFF  }
0xc3: {  	_ =	shalt  }
tec
execute0_lowered:
.L_overlay_start_1:
0x0: {  	(tag) =	ssettag $0x1  }
0x1: {  	s1 =	rddreg [dreg:$0x0]  }
0x2: {  	s4 =	rddreg [dreg:$0x1];
	s2 =	srdreg.scid  }
0x3: {  	s0 =	rddreg [dreg:$0x2];
	s3 =	simm.s32 $0x0;
	s14 =	simm.s32 $0x80  }
0x4: {  	s15 =	simm.s32 $0x5400;
	s7 =	sand.u32 $0x1, s2;
	s2 =	stileid.u32  }
0x5: {  	s16 =	simm.s32 $0x2;
	[smem:$0x7FF] =	sst s3;
	s12 =	smul.u32 $0x9C0000, s7  }
0x6: {  	s6 =	sadd.s32 $0x2C00, s4;
	s9 =	sadd.s32 $0x7C00, s4;
	s13 =	smul.u32 $0x9C000, s2  }
0x7: {  	s5 =	sshll.u32 s7, $0x4;
	_ =	strace $0x80000047;
	s28 =	smul.u32 $0x138000, s7  }
0x8: {  	s23 =	ssub.s32 $0x2, s7;
	s31 =	smul.u32 $0x13800, s2;
	s17 =	sor.u32 s2, s5  }
0x9: {  	s24 =	sshll.u32 s2, $0x7;
	s8 =	sshrl.u32 s23, $0x1;
	s5 =	smul.u32 $0x1380, s17  }
0xa: {  	s11 =	sor.u32 $0x27000, s24;
	s10 =	smul.u32 $0x9C000, s17;
	s8 =	ssub.s32 s23, s8  }
0xb: {  	s26 =	sshrl.u32 s11, $0x3;
	s29 =	sshll.u32 s11, $0x4;
	s30 =	sadd.s32 s13, s12  }
0xc: {  	s12 =	simm.s32 $0x1400;
	s13 =	simm.s32 $0x1;
	p0 =	sgt.u32 s17, $0x1  }
0xd: {  	s17 =	simm.s32 $0x0;
	s7 =	sadd.s32 s9, s29;
	s11 =	sshrl.u32 s30, $0x3  }
0xe: {  	s8 =	smax.u32 s8, $0x1;
	s5 =	sshrl.u32 s5, $0x3;
	s10 =	sshrl.u32 s10, $0x3  }
0xf: {  	s4 =	sadd.s32 s6, s5;
	s25 =	sadd.s32 s9, s10;
	s10 =	sadd.s32 s28, s9  }
0x10: {  	s6 =	sadd.s32 s6, s26;
	s9 =	sadd.s32 s11, s9;
	s10 =	sadd.s32 s31, s10  }
0x11: {  	s11 =	simm.s32 $0x3;
	s5 =	sadd.s32 $0x13000, s25;
	s10 =	sadd.s32 $0x800, s10  }
.LBB2_1:
0x12: {  	[tilespmem:s3], [sflag:$0x3] =	stream.linear.gather [hbm4b:s4+s3], $0x1380, $0x38;
	[tilespmem:$0x9400] =	vst v63  }
0x13: {  	_ =	swait.ge [sflag:s11], $0x1380  }
0x14: {  	[sflag:s11] =	ssyncset.done $0x0  }
0x15: {  	[sflag:s11] =	ssyncadd.s32 $0xFFFFEC80  }
0x16: {  	[tilespmem:s12], [sflag:$0x1] =	stream.indirect.gather [hbm4b:s1+s14], $0x80, s3, s14, $0xb8;
	[tilespmem:$0x9400] =	vst v63  }
0x17: {  	_ =	swait.ge [sflag:s13], $0x4000  }
0x18: {  	[sflag:s13] =	ssyncset.done $0x0  }
0x19: {  	[sflag:s13] =	ssyncadd.s32 $0xFFFFC000  }
0x1a: {  	[tilespmem:s15], [sflag:$0x2] =	stream.indirect.gather [hbm4b:s1+s14], $0x80, s14, s14, $0xb8;
	[tilespmem:$0x9400] =	vst v63  }
0x1b: {  	s18 =	sadd.s32 $0x0, s9  }
0x1c: {  	[hbm4b:s18+s3] =	stream.linear.scatter [tilespmem:s12], [sflag:$0x3], $0x4000, $0x38;
	[tilespmem:$0x9400] =	vst v63  }
0x1d: {  	_ =	swait.ge [sflag:s11], $0x4000  }
0x1e: {  	[sflag:s11] =	ssyncset.done $0x0  }
0x1f: {  	[sflag:s11] =	ssyncadd.s32 $0xFFFFC000  }
0x20: {  	_ =	swait.ge [sflag:s16], $0x4000  }
0x21: {  	[sflag:s16] =	ssyncset.done $0x0  }
0x22: {  	s30 =	simm.s32 $0x100;
	[sflag:s16] =	ssyncadd.s32 $0xFFFFC000  }
0x23: {  	[tilespmem:s12], [sflag:$0x1] =	stream.indirect.gather [hbm4b:s1+s14], $0x80, s30, s14, $0xb8;
	[tilespmem:$0x9400] =	vst v63  }
0x24: {  	s31 =	sadd.s32 $0x0, s10  }
0x25: {  	[hbm4b:s31+s3] =	stream.linear.scatter [tilespmem:s15], [sflag:$0x3], $0x4000, $0x38;
	[tilespmem:$0x9400] =	vst v63  }
0x26: {  	_ =	swait.ge [sflag:s11], $0x4000  }
0x27: {  	s19 =	simm.s32 $0x80;
	s18 =	simm.s32 $0x1000;
	[sflag:s11] =	ssyncset.done $0x0  }
.LBB2_2:
0x28: {  	p1 =	sne.s32 s18, $0x12000;
	[sflag:s11] =	ssyncadd.s32 $0xFFFFC000;
	s19 =	sadd.s32 $0x100, s19  }
0x29: {  	s20 =	smov.u32 s18;
	s18 =	sadd.s32 $0x1000, s18  }
0x2a: {  	_ =	swait.ge [sflag:s13], $0x4000  }
0x2b: {  	[sflag:s13] =	ssyncset.done $0x0  }
0x2c: {  	[sflag:s13] =	ssyncadd.s32 $0xFFFFC000  }
0x2d: {  	[tilespmem:s15], [sflag:$0x2] =	stream.indirect.gather [hbm4b:s1+s14], $0x80, s19, s14, $0xb8;
	[tilespmem:$0x9400] =	vst v63  }
0x2e: {  	s21 =	sadd.s32 s20, s9  }
0x2f: {  	[hbm4b:s21+s3] =	stream.linear.scatter [tilespmem:s12], [sflag:$0x3], $0x4000, $0x38;
	[tilespmem:$0x9400] =	vst v63  }
0x30: {  	_ =	swait.ge [sflag:s11], $0x4000  }
0x31: {  	[sflag:s11] =	ssyncset.done $0x0  }
0x32: {  	[sflag:s11] =	ssyncadd.s32 $0xFFFFC000  }
0x33: {  	_ =	swait.ge [sflag:s16], $0x4000  }
0x34: {  	[sflag:s16] =	ssyncset.done $0x0  }
0x35: {  	s21 =	sadd.s32 $0x80, s19;
	[sflag:s16] =	ssyncadd.s32 $0xFFFFC000  }
0x36: {  	[tilespmem:s12], [sflag:$0x1] =	stream.indirect.gather [hbm4b:s1+s14], $0x80, s21, s14, $0xb8;
	[tilespmem:$0x9400] =	vst v63  }
.Ltmp0:
0x37: {  	_ = 	snop;
	(pc) =	sbr.rel @p1 .LBB2_2-.Ltmp0, $4  }
0x38: {  	s20 =	sadd.s32 s20, s10  }
0x39: {  	[hbm4b:s20+s3] =	stream.linear.scatter [tilespmem:s15], [sflag:$0x3], $0x4000, $0x38;
	[tilespmem:$0x9400] =	vst v63  }
0x3a: {  	_ =	swait.ge [sflag:s11], $0x4000  }
0x3b: {  	[sflag:s11] =	ssyncset.done $0x0  }
0x3c: {  	[sflag:s11] =	ssyncadd.s32 $0xFFFFC000  }
0x3d: {  	_ =	swait.ge [sflag:s13], $0x4000  }
0x3e: {  	[sflag:s13] =	ssyncset.done $0x0  }
0x3f: {  	[sflag:s13] =	ssyncadd.s32 $0xFFFFC000  }
0x40: {  	[hbm4b:s5+s3] =	stream.linear.scatter [tilespmem:s12], [sflag:$0x3], $0x4000, $0x38;
	[tilespmem:$0x9400] =	vst v63  }
0x41: {  	_ =	swait.ge [sflag:s11], $0x4000  }
0x42: {  	s18 =	simm.s32 @!p0 $0x0;
	[sflag:s11] =	ssyncset.done $0x0  }
0x43: {  	s19 =	simm.s32 @!p0 $0x1380;
	s20 =	simm.s32 @!p0 $0x3;
	[sflag:s11] =	ssyncadd.s32 $0xFFFFC000  }
0x44: {  	[tilespmem:s19], [sflag:$0x3] =	stream.linear.gather @!p0 [hbm4b:s6+s18], $0x80, $0x38;
	[tilespmem:$0x9400] =	vst v63  }
0x45: {  	_ =	swait.ge @!p0 [sflag:s20], $0x80  }
0x46: {  	[sflag:s20] =	ssyncset.done @!p0 $0x0  }
0x47: {  	s21 =	simm.s32 @!p0 $0x80;
	s22 =	simm.s32 @!p0 $0x1400;
	[sflag:s20] =	ssyncadd.s32 @!p0 $0xFFFFFF80  }
0x48: {  	[tilespmem:s22], [sflag:$0x1] =	stream.indirect.gather @!p0 [hbm4b:s1+s21], $0x80, s19, s21, $0xb8;
	[tilespmem:$0x9400] =	vst v63  }
0x49: {  	s19 =	simm.s32 @!p0 $0x1  }
0x4a: {  	s17 =	sadd.s32 $0x1, s17;
	_ =	swait.ge @!p0 [sflag:s19], $0x4000  }
0x4b: {  	p1 =	sne.s32 s17, s8;
	[sflag:s19] =	ssyncset.done @!p0 $0x0  }
.Ltmp1:
0x4c: {  	[sflag:s19] =	ssyncadd.s32 @!p0 $0xFFFFC000;
	(pc) =	sbr.rel @p1 .LBB2_1-.Ltmp1, $4  }
0x4d: {  	[hbm4b:s7+s18] =	stream.linear.scatter @!p0 [tilespmem:s22], [sflag:$0x3], $0x4000, $0x38;
	[tilespmem:$0x9400] =	vst v63  }
0x4e: {  	_ =	swait.ge @!p0 [sflag:s20], $0x4000  }
0x4f: {  	[sflag:s20] =	ssyncset.done @!p0 $0x0  }
0x50: {  	[sflag:s20] =	ssyncadd.s32 @!p0 $0xFFFFC000  }
0x51: {  	_ =	sfence.sel $0x180000  }
0x52: {  	[bflag:$0x0] =	sbarrier.arrive $0xFFFF  }
0x53: {  	p0 =	sne.s32 s2, $0x0;
	_ =	strace $0x90000047  }
0x54: {  	s0 =	sadd.s32 @!p0 $0x100000, s0;
	[bflag:$0x2] =	sbarrier.arrive $0xFFFF  }
0x55: {  	[sflag:s0] =	ssyncadd.tile.s32 @!p0 $0x1;
	_ =	shalt  }
.Lfunc_end2:
_tile_overlayer_lowered:
.L_overlay_start_2:
0x56: {  	(tag) =	ssettag $0x2  }
0x57: {  	s0 =	rddreg [dreg:$0x0];
	s2 =	stileid.u32  }
0x58: {  	s1 =	rddreg [dreg:$0x1];
	p0 =	sne.s32 s2, $0x0  }
0x59: {  	s3 =	rddreg [dreg:$0x2];
	[bflag:$0x3] =	sbarrier.arrive $0xFFFF;
	s2 =	simm.s32 @!p0 $0x1C03  }
0x5a: {  	[timem:s3], [sflag:s2] =	dma.local @!p0 [hbm:s0], s1  }
0x5b: {  	s0 =	simm.s32 @!p0 $0x3  }
0x5c: {  	_ =	swait.ge @!p0 [sflag:s0], s1  }
0x5d: {  	s1 =	ssub.s32 @!p0 $0x0, s1;
	[sflag:s0] =	ssyncset.done @!p0 $0x0  }
0x5e: {  	[sflag:s0] =	ssyncadd.s32 @!p0 s1  }
0x5f: {  	[bflag:$0x3] =	sbarrier.arrive $0xFFFF  }
0x60: {  	_ =	shalt  }

// kernel: kernel.9.cloned.1.call-start
scs
__scs_entry_jumppad:
0x0: {  	(pc) =	sbr.rel $0x88, $3  }
0x1: {  	(tag) =	ssettag $0x0;
	lr =	simm.s32 $0x1  }
0x2: {  	[smem:$0x3F92] =	sst lr;
	_ =	strace $0xD0000000  }
0x3: {  	_ = 	snop  }
0x4: {  	_ = 	snop  }
0x5: {  	_ = 	snop  }
0x6: {  	_ = 	snop  }
0x7: {  	_ = 	snop  }
__scs_overlays_trampoline_lowered:
0x8: {  	[smem:$0x3FA1] =	sst s0  }
0x9: {  	[smem:$0x3FA2] =	sst s1  }
0xa: {  	[smem:$0x3FA3] =	sst s2  }
0xb: {  	[smem:$0x3FA4] =	sst s3  }
0xc: {  	[smem:$0x3FA5] =	sst s4  }
0xd: {  	[smem:$0x3FA6] =	sst s5  }
0xe: {  	[smem:$0x3FA7] =	sst s6  }
0xf: {  	[smem:$0x3FA8] =	sst s7  }
0x10: {  	[smem:$0x3FA9] =	sst s8  }
0x11: {  	[smem:$0x3FAA] =	sst s9;
	s0 =	simm.s32 @!p0 $0x0  }
0x12: {  	s1 =	sld [smem:$0x3F90];
	s0 =	simm.s32 @p0 $0x1  }
0x13: {  	[smem:$0x3FAB] =	sst s0;
	s0 =	simm.s32 @!p1 $0x0  }
0x14: {  	s2 =	sld [smem:$0x3F8F];
	s0 =	simm.s32 @p1 $0x1  }
0x15: {  	[smem:$0x3FAC] =	sst s0;
	s0 =	simm.s32 @!p2 $0x0  }
0x16: {  	s3 =	sld [smem:$0x3FDB];
	s0 =	simm.s32 @p2 $0x1  }
0x17: {  	s4 =	simm.s32 $0x1BF5;
	[smem:$0x3FAE] =	sst s0  }
0x18: {  	s0 =	sld [smem:$0x3F91];
	_ =	swait.ge [sflag:s4], $0x0  }
0x19: {  	s7 =	sld [smem:$0x3F92]  }
0x1a: {  	s8 =	sadd.s32 $0xFFFFE003, lr  }
0x1b: {  	s9 =	sadd.s32 $0xFFFFFEF7, lr;
	s5 =	simm.s32 $0xFFFFFFFF;
	p2 =	slt.u32 s8, $0xFFFFF086  }
0x1c: {  	p1 =	slt.u32 s9, $0xF7A;
	s5 =	simm.s32 @!p2 $0x0  }
0x1d: {  	s5 =	simm.s32 @p1 $0x1;
	p0 =	seq.s32 s7, s2  }
0x1e: {  	s7 =	smul.u32 @!p0 $0xF7A, s2;
	p2 =	seq.s32 @!p0 s5, $0x0  }
0x1f: {  	s9 =	smul.u32 $0xF7A, s1;
	s8 =	simm.s32 @!p0 $0x1BF5;
	p2 =	por !p2, p0  }
0x20: {  	[sflag:s8] =	ssyncset.s32 @!p0 $0xFFFFF086;
	s6 =	sadd.s32 @!p0 s3, s7;
	s7 =	simm.s32 @!p0 $0x108  }
0x21: {  	s3 =	sadd.s32 s3, s9;
	s6 =	sadd.s32 @!p0 $0x88, s6;
	s7 =	simm.s32 @p2 $0x1082  }
0x22: {  	[simem:s7], [sflag:s8] =	dma.local @!p0 [hbm:s6], $0xF7A  }
0x23: {  	s9 =	sor.u32 $0xD0000000, s2;
	s6 =	simm.s32 $0x108;
	_ =	swait.ge @!p0 [sflag:s8], $0x0  }
0x24: {  	s3 =	sadd.s32 $0x88, s3;
	s6 =	simm.s32 @!p1 $0x1082;
	[sflag:s4] =	ssyncset.s32 $0xFFFFF086  }
0x25: {  	[simem:s6], [sflag:s4] =	dma.local [hbm:s3], $0xF7A  }
0x26: {  	[smem:$0x3F92] =	sst s1;
	(tag) =	ssettag s2;
	_ =	strace s9  }
0x27: {  	s1 =	sld [smem:$0x3FA2]  }
0x28: {  	s2 =	sld [smem:$0x3FA3]  }
0x29: {  	s4 =	sld [smem:$0x3FA5]  }
0x2a: {  	p0 =	seq.s32 s5, $0x0;
	s5 =	sld [smem:$0x3FA6]  }
0x2b: {  	s6 =	sld [smem:$0x3FA7]  }
0x2c: {  	s7 =	sld [smem:$0x3FA8]  }
0x2d: {  	s3 =	simm.s32 $0x108;
	s8 =	sld [smem:$0x3FA9]  }
0x2e: {  	s3 =	simm.s32 @!p0 $0x1082;
	s9 =	sld [smem:$0x3FAA]  }
0x2f: {  	lr =	sadd.s32 s0, s3;
	s0 =	sld [smem:$0x3FA1]  }
0x30: {  	s3 =	sld [smem:$0x3FA4]  }
0x31: {  	[smem:$0x3FAD] =	sst s10  }
0x32: {  	s10 =	sld [smem:$0x3FAB];
	_ =	sdelay $0x3  }
0x33: {  	p0 =	seq.s32 s10, $0x1;
	s10 =	sld [smem:$0x3FAD];
	_ =	sdelay $0x3  }
0x34: {  	[smem:$0x3FAD] =	sst s10  }
0x35: {  	s10 =	sld [smem:$0x3FAC];
	_ =	sdelay $0x3  }
0x36: {  	p1 =	seq.s32 s10, $0x1;
	s10 =	sld [smem:$0x3FAD];
	_ =	sdelay $0x3  }
0x37: {  	[smem:$0x3FAD] =	sst s10  }
0x38: {  	s10 =	sld [smem:$0x3FAE]  }
0x39: {  	_ = 	snop;
	(pc) =	sbr.ind lr, $3  }
0x3a: {  	_ = 	snop  }
0x3b: {  	_ = 	snop  }
0x3c: {  	p2 =	seq.s32 s10, $0x1;
	s10 =	sld [smem:$0x3FAD]  }
0x3d: {  	_ =	shalt  }
0x3e: {  	_ =	shalt  }
0x3f: {  	_ =	shalt  }
0x40: {  	_ =	shalt  }
0x41: {  	_ =	shalt  }
0x42: {  	_ =	shalt  }
0x43: {  	_ =	shalt  }
0x44: {  	_ =	shalt  }
0x45: {  	_ =	shalt  }
0x46: {  	_ =	shalt  }
0x47: {  	_ =	shalt  }
0x48: {  	_ =	shalt  }
0x49: {  	_ =	shalt  }
0x4a: {  	_ =	shalt  }
0x4b: {  	_ =	shalt  }
0x4c: {  	_ =	shalt  }
0x4d: {  	_ =	shalt  }
0x4e: {  	_ =	shalt  }
0x4f: {  	_ =	shalt  }
0x50: {  	_ =	shalt  }
0x51: {  	_ =	shalt  }
0x52: {  	_ =	shalt  }
0x53: {  	_ =	shalt  }
0x54: {  	_ =	shalt  }
0x55: {  	_ =	shalt  }
0x56: {  	_ =	shalt  }
0x57: {  	_ =	shalt  }
0x58: {  	_ =	shalt  }
0x59: {  	_ =	shalt  }
0x5a: {  	_ =	shalt  }
0x5b: {  	_ =	shalt  }
0x5c: {  	_ =	shalt  }
0x5d: {  	_ =	shalt  }
0x5e: {  	_ =	shalt  }
0x5f: {  	_ =	shalt  }
0x60: {  	_ =	shalt  }
0x61: {  	_ =	shalt  }
0x62: {  	_ =	shalt  }
0x63: {  	_ =	shalt  }
0x64: {  	_ =	shalt  }
0x65: {  	_ =	shalt  }
0x66: {  	_ =	shalt  }
0x67: {  	_ =	shalt  }
0x68: {  	_ =	shalt  }
0x69: {  	_ =	shalt  }
0x6a: {  	_ =	shalt  }
0x6b: {  	_ =	shalt  }
0x6c: {  	_ =	shalt  }
0x6d: {  	_ =	shalt  }
0x6e: {  	_ =	shalt  }
0x6f: {  	_ =	shalt  }
0x70: {  	_ =	shalt  }
0x71: {  	_ =	shalt  }
0x72: {  	_ =	shalt  }
0x73: {  	_ =	shalt  }
0x74: {  	_ =	shalt  }
0x75: {  	_ =	shalt  }
0x76: {  	_ =	shalt  }
0x77: {  	_ =	shalt  }
0x78: {  	_ =	shalt  }
0x79: {  	_ =	shalt  }
0x7a: {  	_ =	shalt  }
0x7b: {  	_ =	shalt  }
0x7c: {  	_ =	shalt  }
0x7d: {  	_ =	shalt  }
0x7e: {  	_ =	shalt  }
0x7f: {  	_ =	shalt  }
0x80: {  	_ =	shalt  }
0x81: {  	_ =	shalt  }
0x82: {  	_ =	shalt  }
0x83: {  	_ =	shalt  }
0x84: {  	_ =	shalt  }
0x85: {  	_ =	shalt  }
0x86: {  	_ =	shalt  }
0x87: {  	_ =	shalt  }
.Lfunc_end0:
.L_simem_size_0:
called_computation.1_lowered:
.L_overlay_start_0:
0x88: {  	s2 =	sld [smem:$0x3FD9]  }
0x89: {  	s3 =	sld [smem:$0x3FFE];
	_ =	sdelay $0x1  }
0x8a: {  	s1 =	srdreg.scid  }
0x8b: {  	s0 =	sand.u32 $0x1, s1  }
0x8c: {  	s17 =	sshll.u32 s0, $0xA;
	s2 =	sadd.s32 s3, s2  }
0x8d: {  	s2 =	sadd.s32 s2, s17  }
0x8e: {  	[smem:$0x3FB9] =	sst s2  }
0x8f: {  	_ = 	snop  }
0x90: {  	s2 =	sld [smem:$0x3FD0];
	(tm) =	ssettm $0x1  }
0x91: {  	s18 =	sld [smem:$0x3FFB];
	_ =	sdelay $0x3  }
0x92: {  	_ =	strace s18  }
0x93: {  	s3 =	sld [smem:$0x3FFC];
	_ =	sdelay $0x3  }
0x94: {  	_ =	strace s3  }
0x95: {  	s3 =	sld [smem:$0x3FFD];
	_ =	sdelay $0x3  }
0x96: {  	_ =	strace s3  }
0x97: {  	_ =	strace $0x8FFFFFFF  }
0x98: {  	s19 =	sld [smem:$0x3FDB];
	_ =	sdelay $0x1  }
0x99: {  	s4 =	simm.s32 $_scs_section_size  }
0x9a: {  	s5 =	simm.s32 $_size__tile_overlayer_lowered;
	s6 =	simm.s32 $_tile_overlayer_lowered  }
0x9b: {  	s22 =	simm.s32 $0x1BFF;
	s21 =	sshll.u32 s6, $0x1;
	s3 =	sadd.s32 s4, s19  }
0x9c: {  	s7 =	simm.s32 $0x0;
	s20 =	sshll.u32 s5, $0x1;
	s5 =	sadd.s32 s21, s3  }
0x9d: {  	[timem:s7], [sflag:s22] =	dma.local [hbm:s5], s20  }
0x9e: {  	_ =	swait.ge [sflag:s22], s20  }
0x9f: {  	s4 =	ssub.s32 $0x0, s20;
	[sflag:s22] =	ssyncset.done $0x0  }
0xa0: {  	[sflag:s22] =	ssyncadd.s32 s4;
	_ =	sdelay $0x1  }
0xa1: {  	s23 =	simm.s32 $0x1B8B  }
0xa2: {  	_ =	swait.ge [sflag:s23], $0x1  }
0xa3: {  	[sflag:s23] =	ssyncset.done $0x0  }
0xa4: {  	s25 =	simm.s32 $0x1B8E;
	s24 =	sld [smem:$0x3FFE];
	[sflag:s23] =	ssyncadd.s32 $0xFFFFFFFF  }
0xa5: {  	s26 =	simm.s32 $execute0_lowered;
	[smem:$0x3FD2] =	sst s25  }
0xa6: {  	s5 =	sshll.u32 s26, $0x1;
	_ =	strace $0x80000049;
	[dreg:$0x1] =	wrdreg $0xFFFFFFFF  }
0xa7: {  	s28 =	simm.s32 $_size_execute0_lowered;
	s3 =	sadd.s32 s3, s5;
	[dreg:$0x0] =	wrdreg $0x0  }
0xa8: {  	s5 =	sshll.u32 s28, $0x1;
	[dreg:$0x2] =	wrdreg s3  }
0xa9: {  	[dreg:$0x3] =	wrdreg s5  }
0xaa: {  	[dreg:$0x4] =	wrdreg $0xC0  }
0xab: {  	_ =	task [dreg:s7], $0x5FFFF  }
0xac: {  	[dreg:$0x1] =	wrdreg $0xFFFFFFFF  }
0xad: {  	[dreg:$0x0] =	wrdreg $0x60  }
0xae: {  	[dreg:$0x2] =	wrdreg s24  }
0xaf: {  	[dreg:$0x3] =	wrdreg s2  }
0xb0: {  	[dreg:$0x4] =	wrdreg $0x9  }
0xb1: {  	_ =	task.clear_ibuf [dreg:s7], $0x5FFFF;
	_ =	strace $0x90000049  }
0xb2: {  	s29 =	simm.s32 $0x9;
	_ =	strace $0x8000004B  }
0xb3: {  	_ =	swait.ge [sflag:s29], $0x1  }
0xb4: {  	[sflag:s29] =	ssyncadd.s32 $0xFFFFFFFF  }
0xb5: {  	_ =	strace $0x9000004B  }
0xb6: {  	_ =	sfence  }
0xb7: {  	s30 =	sld [smem:$0x0];
	_ =	sdelay $0x2  }
0xb8: {  	s31 =	sshll.u32 s1, $0xD;
	s1 =	sshrl.u32 s1, $0x2  }
0xb9: {  	s3 =	sand.u32 $0x4000, s31;
	s1 =	sadd.s32 s1, s30  }
0xba: {  	s0 =	sor.u32 s3, s0;
	s1 =	sshll.u32 s1, $0x11  }
0xbb: {  	s0 =	sor.u32 s1, s0  }
0xbc: {  	s0 =	sadd.s32 $0x8F2B, s0  }
0xbd: {  	[sflag:s0] =	ssyncadd.remote.s32 $0x1  }
0xbe: {  	_ =	sfence.sel $0xFFFF  }
0xbf: {  	[dreg:$0x0] =	wrdreg $0xFFFFFFFF;
	(pc) =	sbr.abs _section_cstart, $3  }
0xc0: {  	[dreg:$0x1] =	wrdreg $0xFFFFFFFF  }
0xc1: {  	_ =	task.clear_ibuf [dreg:s7], $0x2FFFF;
	_ =	strace $0x9FFFFFFF  }
0xc2: {  	(tm) =	ssettm $0x7FFFFFFF  }
0xc3: {  	_ =	shalt  }
tec
execute0_lowered:
.L_overlay_start_1:
0x0: {  	(tag) =	ssettag $0x1  }
0x1: {  	s0 =	srdreg.scid;
	s6 =	rddreg [dreg:$0x0]  }
0x2: {  	s2 =	rddreg [dreg:$0x1];
	s3 =	simm.s32 $0x0;
	s4 =	sand.u32 $0x1, s0  }
0x3: {  	s11 =	simm.s32 $0x4100;
	s0 =	stileid.u32;
	s1 =	sshll.u32 s4, $0x4  }
0x4: {  	s12 =	simm.s32 $0x100;
	s13 =	simm.s32 $0x4180;
	s5 =	sor.u32 s0, s1  }
0x5: {  	s14 =	simm.s32 $0xE180;
	s15 =	simm.s32 $0x0;
	s7 =	smul.u32 $0x1400, s5  }
.Ltmp0:
0x6: {  	[smem:$0x7FF] =	sst s3;
	s8 =	ssub.s32 $0x2, s4;
	(pc) =	sbr.rel .LBB2_1-.Ltmp0, $4  }
0x7: {  	v7 =	vlaneseq.u32;
	s1 =	rddreg [dreg:$0x2];
	s9 =	sshrl.u32 s8, $0x1;
	s4 =	smul.u32 $0x140, s5  }
0x8: {  	v0 =	vimm.f32 $0.0e+00;
	v54 =	vimm.f32 $1.000000000e+00;
	v44 =	vor.u32 $0x10, v7;
	_ =	strace $0x8000004A;
	s5 =	sadd.s32 $0x75AC00, s6;
	s9 =	ssub.s32 s8, s9  }
0x9: {  	v39 =	vor.u32 $0x20, v7;
	v40 =	vor.u32 $0x30, v7;
	v46 =	vor.u32 $0x40, v7;
	s9 =	smax.u32 s9, $0x1;
	s10 =	sadd.s32 s7, s6;
	s6 =	sadd.s32 $0x140, s4  }
0xa: {  	v41 =	vor.u32 $0x50, v7;
	v42 =	vor.u32 $0x60, v7;
	v43 =	vor.u32 $0x70, v7;
	s7 =	sadd.s32 $0x2C00, s10;
	s8 =	sadd.s32 $0x2AC00, s10;
	s10 =	simm.s32 $0x1  }
.LBB2_11:
0xb: {  	[hbm4b:s7+s3] =	stream.linear.scatter [tilespmem:s13], [sflag:$0x1], $0xA000, $0x38;
	[tilespmem:$0x18180] =	vst v63  }
0xc: {  	s15 =	sadd.s32 $0x1, s15;
	_ =	swait.ge [sflag:s10], $0xA000  }
0xd: {  	p0 =	sne.s32 s15, s9;
	[sflag:s10] =	ssyncset.done $0x0  }
.Ltmp1:
0xe: {  	[sflag:s10] =	ssyncadd.s32 $0xFFFF6000;
	(pc) =	sbr.rel @!p0 .LBB2_12-.Ltmp1, $4  }
0xf: {  	[hbm4b:s8+s3] =	stream.linear.scatter [tilespmem:s14], [sflag:$0x1], $0xA000, $0x38;
	[tilespmem:$0x18180] =	vst v63  }
0x10: {  	_ =	swait.ge [sflag:s10], $0xA000  }
0x11: {  	[sflag:s10] =	ssyncset.done $0x0  }
0x12: {  	v0 =	vimm.f32 $0.0e+00;
	[sflag:s10] =	ssyncadd.s32 $0xFFFF6000  }
.LBB2_1:
0x13: {  	s16 =	simm.s32 $0x4E2  }
0x14: {  	s16 =	sand.u32 $0x1, s16  }
0x15: {  	p0 =	por $0x0, $0x0;
	p1 =	seq.s32 s16, $0x1  }
0x16: {  	p0 =	por !p0, !p1  }
0x17: {  	s16 =	simm.s32 $0x1;
	p0 =	por !p0, !p0  }
0x18: {  	s16 =	simm.s32 @!p0 $0x0  }
0x19: {  	s16 =	ssub.s32 $0x271, s16  }
0x1a: {  	p0 =	slt.s32 s16, $0x4E1  }
0x1b: {  	s16 =	simm.s32 @!p0 $0x4E1  }
0x1c: {  	s17 =	sshll.u32 s16, $0x4  }
0x1d: {  	s17 =	sand.u32 $0x1FFFFFF0, s17  }
0x1e: {  	s17 =	sadd.s32 s2, s17  }
0x1f: {  	[tilespmem:s11], [sflag:$0x1] =	stream.linear.gather [hbm4b:s17+s3], $0x10, $0x38;
	[tilespmem:$0x18180] =	vst v63  }
0x20: {  	_ =	swait.ge [sflag:s10], $0x10  }
0x21: {  	[sflag:s10] =	ssyncset.done $0x0  }
0x22: {  	[sflag:s10] =	ssyncadd.s32 $0xFFFFFFF0  }
0x23: {  	v10 =	vld [tilespmem:$0x4100];
	_ =	sdelay $0x4  }
0x24: {  	(v2sf) =	vpush v10, $0x0;
	_ =	sdelay $0xd  }
0x25: {  	s18 =	simm.s32 $0x4E2;
	s19 =	simm.s32 $0xA  }
0x26: {  	s22 =	simm.s32 $0x4E2;
	s20 =	simm.s32 $0x4E2;
	s31 =	spop (v2sf)  }
0x27: {  	p1 =	por $0x1, $0x1;
	s21 =	sadd.s32 $0x1, s16;
	p0 =	sge.s32 s31, s4  }
0x28: {  	s17 =	simm.s32 $0x0;
	s22 =	smov.u32 @p0 s16;
	s21 =	smov.u32 @p0 s3  }
.LBB2_2:
0x29: {  	p0 =	sne.s32 s19, $0x1;
	s20 =	smov.u32 @p1 s22;
	s17 =	smov.u32 @p1 s21  }
0x2a: {  	s19 =	sadd.s32 $0xFFFFFFFF, s19;
	s16 =	sadd.s32 s17, s20  }
0x2b: {  	s21 =	sshrl.u32 s16, $0x1F;
	s22 =	sand.u32 $0x1, s16  }
0x2c: {  	p1 =	slt.s32 s16, $0x1;
	s21 =	sadd.s32 s21, s16;
	p2 =	seq.s32 s22, $0x1  }
0x2d: {  	p1 =	por !p1, !p2  }
0x2e: {  	s16 =	sshra.s32 s21, $0x1;
	s21 =	simm.s32 $0x1;
	p1 =	por !p1, !p1  }
0x2f: {  	s21 =	simm.s32 @!p1 $0x0  }
0x30: {  	s23 =	ssub.s32 s16, s21  }
0x31: {  	p1 =	slt.s32 s23, $0x4E1  }
0x32: {  	s23 =	simm.s32 @!p1 $0x4E1  }
0x33: {  	s16 =	sshll.u32 s23, $0x4  }
0x34: {  	s16 =	sand.u32 $0x1FFFFFF0, s16  }
0x35: {  	s21 =	sadd.s32 s2, s16;
	s16 =	simm.s32 $0x0  }
0x36: {  	[tilespmem:s11], [sflag:$0x1] =	stream.linear.gather [hbm4b:s21+s16], $0x10, $0x38;
	[tilespmem:$0x18180] =	vst v63  }
0x37: {  	_ =	swait.ge [sflag:s10], $0x10  }
0x38: {  	[sflag:s10] =	ssyncset.done $0x0  }
0x39: {  	[sflag:s10] =	ssyncadd.s32 $0xFFFFFFF0  }
0x3a: {  	v10 =	vld [tilespmem:$0x4100];
	_ =	sdelay $0x4  }
0x3b: {  	(v2sf) =	vpush v10, $0x0;
	_ =	sdelay $0xc  }
.Ltmp2:
0x3c: {  	(pc) =	sbr.rel @p0 .LBB2_2-.Ltmp2, $4  }
0x3d: {  	_ = 	snop  }
0x3e: {  	s21 =	spop (v2sf)  }
0x3f: {  	s22 =	smov.u32 s20;
	p2 =	sge.s32 s21, s4;
	s21 =	sadd.s32 $0x1, s23  }
0x40: {  	p1 =	slt.s32 s17, s20;
	s22 =	smov.u32 @p2 s23;
	s21 =	smov.u32 @p2 s17  }
0x41: {  	s19 =	simm.s32 $0x4E2  }
0x42: {  	s19 =	sand.u32 $0x1, s19  }
0x43: {  	p0 =	por $0x0, $0x0;
	p2 =	seq.s32 s19, $0x1  }
0x44: {  	p0 =	por !p0, !p2  }
0x45: {  	s19 =	simm.s32 $0x1;
	p0 =	por !p0, !p0  }
0x46: {  	s19 =	simm.s32 @!p0 $0x0  }
0x47: {  	s22 =	ssub.s32 $0x271, s19  }
0x48: {  	p0 =	slt.s32 s22, $0x4E1  }
0x49: {  	s22 =	simm.s32 @!p0 $0x4E1  }
0x4a: {  	s31 =	sshll.u32 s22, $0x4  }
0x4b: {  	s19 =	sand.u32 $0x1FFFFFF0, s31  }
0x4c: {  	s19 =	sadd.s32 s2, s19  }
0x4d: {  	[tilespmem:s11], [sflag:$0x1] =	stream.linear.gather [hbm4b:s19+s3], $0x10, $0x38;
	[tilespmem:$0x18180] =	vst v63  }
0x4e: {  	_ =	swait.ge [sflag:s10], $0x10  }
0x4f: {  	[sflag:s10] =	ssyncset.done $0x0  }
0x50: {  	[sflag:s10] =	ssyncadd.s32 $0xFFFFFFF0  }
0x51: {  	v10 =	vld [tilespmem:$0x4100];
	_ =	sdelay $0x4  }
0x52: {  	(v2sf) =	vpush v10, $0x0;
	_ =	sdelay $0xb  }
0x53: {  	p0 =	por $0x0, $0x0  }
.Ltmp3:
0x54: {  	_ = 	snop;
	(pc) =	sbr.rel @p0 .LBB2_5-.Ltmp3, $4  }
0x55: {  	_ = 	snop  }
0x56: {  	s17 =	smov.u32 @p1 s21;
	s21 =	simm.s32 $0x4E2;
	s20 =	spop (v2sf)  }
0x57: {  	p1 =	por $0x1, $0x1;
	p2 =	sge.s32 s20, s6;
	s20 =	sadd.s32 $0x1, s22  }
0x58: {  	s19 =	simm.s32 $0xA;
	s21 =	smov.u32 @p2 s22;
	s20 =	smov.u32 @p2 s16  }
.LBB2_4:
0x59: {  	p0 =	seq.s32 s19, $0x1;
	s18 =	smov.u32 @p1 s21;
	s16 =	smov.u32 @p1 s20  }
0x5a: {  	s19 =	sadd.s32 $0xFFFFFFFF, s19;
	s20 =	sadd.s32 s16, s18  }
0x5b: {  	s21 =	sshrl.u32 s20, $0x1F;
	s22 =	sand.u32 $0x1, s20  }
0x5c: {  	p1 =	slt.s32 s20, $0x1;
	s21 =	sadd.s32 s21, s20;
	p2 =	seq.s32 s22, $0x1  }
0x5d: {  	p1 =	por !p1, !p2  }
0x5e: {  	s20 =	sshra.s32 s21, $0x1;
	s21 =	simm.s32 $0x1;
	p1 =	por !p1, !p1  }
0x5f: {  	s21 =	simm.s32 @!p1 $0x0  }
0x60: {  	s22 =	ssub.s32 s20, s21  }
0x61: {  	p1 =	slt.s32 s22, $0x4E1  }
0x62: {  	s22 =	simm.s32 @!p1 $0x4E1  }
0x63: {  	s20 =	sshll.u32 s22, $0x4  }
0x64: {  	s20 =	sand.u32 $0x1FFFFFF0, s20  }
0x65: {  	s20 =	sadd.s32 s2, s20  }
0x66: {  	[tilespmem:s11], [sflag:$0x1] =	stream.linear.gather [hbm4b:s20+s3], $0x10, $0x38;
	[tilespmem:$0x18180] =	vst v63  }
0x67: {  	_ =	swait.ge [sflag:s10], $0x10  }
0x68: {  	[sflag:s10] =	ssyncset.done $0x0  }
0x69: {  	[sflag:s10] =	ssyncadd.s32 $0xFFFFFFF0  }
0x6a: {  	v10 =	vld [tilespmem:$0x4100];
	_ =	sdelay $0x4  }
0x6b: {  	(v2sf) =	vpush v10, $0x0;
	_ =	sdelay $0xc  }
.Ltmp4:
0x6c: {  	(pc) =	sbr.rel @!p0 .LBB2_4-.Ltmp4, $4  }
0x6d: {  	_ = 	snop  }
0x6e: {  	s20 =	spop (v2sf)  }
0x6f: {  	s21 =	smov.u32 s18;
	p2 =	sge.s32 s20, s6;
	s20 =	sadd.s32 $0x1, s22  }
0x70: {  	p1 =	slt.s32 s16, s18;
	s21 =	smov.u32 @p2 s22;
	s20 =	smov.u32 @p2 s16  }
.LBB2_5:
0x71: {  	s19 =	simm.s32 $0x4280  }
0x72: {  	[tilespmem:s19+$0xFFFFFF00] =	vst v0  }
0x73: {  	[tilespmem:s19+$0xFFFFFF70] =	vst v0  }
0x74: {  	[tilespmem:s19+$0xF0] =	vst v0  }
0x75: {  	[tilespmem:s19+$0xE0] =	vst v0  }
0x76: {  	[tilespmem:s19+$0xD0] =	vst v0  }
0x77: {  	[tilespmem:s19+$0xC0] =	vst v0  }
0x78: {  	[tilespmem:s19+$0xB0] =	vst v0  }
0x79: {  	[tilespmem:s19+$0xA0] =	vst v0  }
0x7a: {  	[tilespmem:s19+$0x90] =	vst v0  }
0x7b: {  	[tilespmem:s19+$0x80] =	vst v0  }
0x7c: {  	[tilespmem:s19+$0xFFFFFFF0] =	vst v0  }
0x7d: {  	[tilespmem:s19+$0x70] =	vst v0  }
0x7e: {  	[tilespmem:s19+$0x60] =	vst v0  }
0x7f: {  	[tilespmem:s19+$0x50] =	vst v0  }
0x80: {  	[tilespmem:s19+$0x40] =	vst v0  }
0x81: {  	[tilespmem:s19+$0x30] =	vst v0  }
0x82: {  	[tilespmem:s19+$0x20] =	vst v0  }
0x83: {  	[tilespmem:s19+$0x10] =	vst v0  }
0x84: {  	[tilespmem:s19+$0x0] =	vst v0  }
0x85: {  	[tilespmem:s19+$0xFFFFFFE0] =	vst v0  }
0x86: {  	[tilespmem:s19+$0xFFFFFFD0] =	vst v0  }
0x87: {  	[tilespmem:s19+$0xFFFFFFC0] =	vst v0  }
0x88: {  	[tilespmem:s19+$0xFFFFFFB0] =	vst v0  }
0x89: {  	[tilespmem:s19+$0xFFFFFFA0] =	vst v0  }
0x8a: {  	[tilespmem:s19+$0xFFFFFF90] =	vst v0  }
0x8b: {  	[tilespmem:s19+$0xFFFFFF80] =	vst v0  }
0x8c: {  	[tilespmem:s19+$0xFFFFFF60] =	vst v0  }
0x8d: {  	[tilespmem:s19+$0xFFFFFF50] =	vst v0  }
0x8e: {  	[tilespmem:s19+$0xFFFFFF40] =	vst v0  }
0x8f: {  	[tilespmem:s19+$0xFFFFFF30] =	vst v0  }
0x90: {  	[tilespmem:s19+$0xFFFFFF20] =	vst v0  }
0x91: {  	s18 =	simm.s32 $0xE280;
	[tilespmem:s19+$0xFFFFFF10] =	vst v0  }
0x92: {  	[tilespmem:s18+$0x80] =	vst v0  }
0x93: {  	[tilespmem:s18+$0x0] =	vst v0  }
0x94: {  	s16 =	smov.u32 @p1 s20;
	s20 =	simm.s32 $0x0;
	[tilespmem:s18+$0xFFFFFF80] =	vst v0  }
.LBB2_6:
0x95: {  	s20 =	sadd.s32 $0x4, s20;
	[tilespmem:s18+$0xFFFFFF00] =	vst v0;
	s19 =	sadd.s32 $0x200, s19;
	s18 =	sadd.s32 $0x200, s18  }
0x96: {  	[tilespmem:s19+$0xFFFFFF00] =	vst v0;
	p0 =	slt.u32 s20, $0x13C  }
0x97: {  	[tilespmem:s19+$0xFFFFFF70] =	vst v0  }
0x98: {  	[tilespmem:s19+$0xF0] =	vst v0  }
0x99: {  	[tilespmem:s19+$0xE0] =	vst v0  }
0x9a: {  	[tilespmem:s19+$0xD0] =	vst v0  }
0x9b: {  	[tilespmem:s19+$0xC0] =	vst v0  }
0x9c: {  	[tilespmem:s19+$0xB0] =	vst v0  }
0x9d: {  	[tilespmem:s19+$0xA0] =	vst v0  }
0x9e: {  	[tilespmem:s19+$0x90] =	vst v0  }
0x9f: {  	[tilespmem:s19+$0x80] =	vst v0  }
0xa0: {  	[tilespmem:s18+$0x80] =	vst v0  }
0xa1: {  	[tilespmem:s19+$0xFFFFFFF0] =	vst v0  }
0xa2: {  	[tilespmem:s19+$0x70] =	vst v0  }
0xa3: {  	[tilespmem:s19+$0x60] =	vst v0  }
0xa4: {  	[tilespmem:s19+$0x50] =	vst v0  }
0xa5: {  	[tilespmem:s19+$0x40] =	vst v0  }
0xa6: {  	[tilespmem:s19+$0x30] =	vst v0  }
0xa7: {  	[tilespmem:s19+$0x20] =	vst v0  }
0xa8: {  	[tilespmem:s19+$0x10] =	vst v0  }
0xa9: {  	[tilespmem:s19+$0x0] =	vst v0  }
0xaa: {  	[tilespmem:s18+$0x0] =	vst v0  }
0xab: {  	[tilespmem:s19+$0xFFFFFFE0] =	vst v0  }
0xac: {  	[tilespmem:s19+$0xFFFFFFD0] =	vst v0  }
0xad: {  	[tilespmem:s19+$0xFFFFFFC0] =	vst v0  }
0xae: {  	[tilespmem:s19+$0xFFFFFFB0] =	vst v0  }
0xaf: {  	[tilespmem:s19+$0xFFFFFFA0] =	vst v0  }
0xb0: {  	[tilespmem:s19+$0xFFFFFF90] =	vst v0  }
0xb1: {  	[tilespmem:s19+$0xFFFFFF80] =	vst v0  }
0xb2: {  	[tilespmem:s18+$0xFFFFFF80] =	vst v0  }
0xb3: {  	[tilespmem:s19+$0xFFFFFF60] =	vst v0  }
.Ltmp5:
0xb4: {  	[tilespmem:s19+$0xFFFFFF50] =	vst v0;
	(pc) =	sbr.rel @p0 .LBB2_6-.Ltmp5, $4  }
0xb5: {  	[tilespmem:s19+$0xFFFFFF40] =	vst v0  }
0xb6: {  	[tilespmem:s19+$0xFFFFFF30] =	vst v0  }
0xb7: {  	[tilespmem:s19+$0xFFFFFF20] =	vst v0  }
0xb8: {  	[tilespmem:s19+$0xFFFFFF10] =	vst v0  }
0xb9: {  	s17 =	sadd.s32 $0xFFFFFFFF, s17  }
0xba: {  	p0 =	sgt.s32 s17, $0x0  }
0xbb: {  	s17 =	simm.s32 @!p0 $0x0  }
0xbc: {  	p0 =	slt.s32 s17, s16  }
.Ltmp6:
0xbd: {  	_ = 	snop;
	(pc) =	sbr.rel @!p0 .LBB2_11-.Ltmp6, $2  }
0xbe: {  	_ =	sdelay $0x2  }
0xbf: {  	[tilespmem:s18+$0xFFFFFF00] =	vst v0  }
.LBB2_8:
0xc0: {  	s18 =	sshll.u32 s17, $0x4  }
0xc1: {  	s18 =	sand.u32 $0x1FFFFFF0, s18  }
0xc2: {  	s18 =	sadd.s32 s2, s18  }
0xc3: {  	[tilespmem:s3], [sflag:$0x1] =	stream.linear.gather [hbm4b:s18+s3], $0x80, $0x38;
	[tilespmem:$0x18180] =	vst v63  }
0xc4: {  	s22 =	sshll.u32 s17, $0xB;
	_ =	swait.ge [sflag:s10], $0x80  }
0xc5: {  	s18 =	sand.u32 $0x1FFFF800, s22;
	[sflag:s10] =	ssyncset.done $0x0  }
0xc6: {  	s18 =	sadd.s32 s5, s18;
	[sflag:s10] =	ssyncadd.s32 $0xFFFFFF80  }
0xc7: {  	[tilespmem:s12], [sflag:$0x1] =	stream.linear.gather [hbm4b:s18+s3], $0x4000, $0x38;
	[tilespmem:$0x18180] =	vst v63  }
0xc8: {  	_ =	swait.ge [sflag:s10], $0x4000  }
0xc9: {  	[sflag:s10] =	ssyncset.done $0x0  }
0xca: {  	s23 =	simm.s32 $0x4;
	[sflag:s10] =	ssyncadd.s32 $0xFFFFC000  }
0xcb: {  	v10 =	vld [tilespmem:s23+$0x3];
	_ =	sdelay $0x4  }
0xcc: {  	(v2sf) =	vpush v10, $0x0;
	_ =	sdelay $0x4  }
0xcd: {  	v10 =	vld [tilespmem:s23+$0xFFFFFFFD]  }
0xce: {  	v11 =	vld [tilespmem:s23+$0xFFFFFFFE]  }
0xcf: {  	v12 =	vld [tilespmem:s23+$0xFFFFFFFF]  }
0xd0: {  	v13 =	vld [tilespmem:s23+$0x0]  }
0xd1: {  	v14 =	vld [tilespmem:s23+$0x1]  }
0xd2: {  	v15 =	vld [tilespmem:s23+$0x2];
	(v2sf) =	vpush v10, $0x0  }
0xd3: {  	v10 =	vld [tilespmem:s23+$0xFFFFFFFC];
	(v2sf) =	vpush v11, $0x0  }
0xd4: {  	(v2sf) =	vpush v12, $0x0  }
0xd5: {  	(v2sf) =	vpush v13, $0x0  }
0xd6: {  	(v2sf) =	vpush v14, $0x0  }
0xd7: {  	s24 =	spop (v2sf);
	(v2sf) =	vpush v15, $0x0  }
0xd8: {  	s18 =	ssub.s32 s24, s4;
	(v2sf) =	vpush v10, $0x0  }
0xd9: {  	v10 =	vmov s18  }
0xda: {  	vm0 =	vgt.s32 v10, $0x0  }
0xdb: {  	v11 =	vnsel vm0, $0x0, v10  }
0xdc: {  	v11 =	vmin.u32 v11, $0x13F  }
0xdd: {  	s18 =	simm.s32 $0x300;
	vm7 =	vlt.u32 v10, $0x140;
	v21 =	vshll.u32 v11, $0x7  }
0xde: {  	v10 =	vld [tilespmem:s18+$0x180];
	v17 =	vor.u32 v7, v21;
	_ =	sdelay $0x2  }
0xdf: {  	s19 =	spop (v2sf)  }
0xe0: {  	s20 =	spop (v2sf)  }
0xe1: {  	s21 =	spop (v2sf);
	[tilespmem:v17+s13+$0x0] =	vst.idx.add.f32.msk vm7, v10  }
0xe2: {  	v11 =	vor.u32 v44, v21;
	s22 =	spop (v2sf);
	v10 =	vld [tilespmem:s18+$0x190]  }
0xe3: {  	s23 =	spop (v2sf)  }
0xe4: {  	s19 =	ssub.s32 s19, s4;
	s24 =	spop (v2sf)  }
0xe5: {  	s20 =	ssub.s32 s20, s4;
	v12 =	vmov s19;
	s28 =	spop (v2sf)  }
0xe6: {  	v25 =	vld [tilespmem:s18+$0xFFFFFE00];
	v15 =	vor.u32 v39, v21;
	v13 =	vmov s20;
	s25 =	ssub.s32 s21, s4;
	vm1 =	vgt.s32 v12, $0x0;
	s29 =	ssub.s32 s28, s4  }
0xe7: {  	s26 =	ssub.s32 s22, s4;
	v22 =	vmov s25;
	vm2 =	vgt.s32 v13, $0x0;
	[tilespmem:v11+s13+$0x0] =	vst.idx.add.f32.msk vm7, v10;
	v10 =	vmov s29  }
0xe8: {  	v29 =	vld [tilespmem:s18+$0xFFFFFE80];
	v23 =	vmov s26;
	vm3 =	vgt.s32 v22, $0x0;
	vm4 =	vgt.s32 v10, $0x0  }
0xe9: {  	v30 =	vld [tilespmem:s18+$0xFFFFFF00];
	vm5 =	vgt.s32 v23, $0x0;
	v20 =	vnsel vm3, $0x0, v22;
	v14 =	vnsel vm4, $0x0, v10  }
0xea: {  	v11 =	vld [tilespmem:s18+$0x1A0];
	vm3 =	vlt.u32 v10, $0x140;
	v10 =	vnsel vm5, $0x0, v23;
	v14 =	vmin.u32 v14, $0x13F  }
0xeb: {  	v31 =	vld [tilespmem:s18+$0xFFFFFF80];
	v19 =	vnsel vm2, $0x0, v13;
	v10 =	vmin.u32 v10, $0x13F;
	v18 =	vshll.u32 v14, $0x7  }
0xec: {  	v33 =	vld [tilespmem:s18+$0x0];
	vm2 =	vlt.u32 v23, $0x140;
	v27 =	vshll.u32 v10, $0x7;
	v8 =	vor.u32 v7, v18  }
0xed: {  	v34 =	vld [tilespmem:s18+$0x80];
	vm6 =	vlt.u32 v12, $0x140;
	v16 =	vnsel vm1, $0x0, v12;
	v12 =	vor.u32 v7, v27  }
0xee: {  	v35 =	vld [tilespmem:s18+$0x100]  }
0xef: {  	v16 =	vmin.u32 v16, $0x13F;
	[tilespmem:v15+s13+$0x0] =	vst.idx.add.f32.msk vm7, v11  }
0xf0: {  	v32 =	vor.u32 v40, v21;
	s30 =	ssub.s32 s23, s4;
	v11 =	vmin.u32 v19, $0x13F;
	v19 =	vshll.u32 v16, $0x7;
	v28 =	vld [tilespmem:s18+$0x1B0]  }
0xf1: {  	v24 =	vmov s30;
	vm5 =	vlt.u32 v13, $0x140;
	v14 =	vor.u32 v7, v19;
	[tilespmem:v8+s13+$0x0] =	vst.idx.add.f32.msk vm3, v25  }
0xf2: {  	s31 =	ssub.s32 s24, s4;
	vm4 =	vlt.u32 v22, $0x140;
	v15 =	vmin.u32 v20, $0x13F;
	v20 =	vshll.u32 v11, $0x7;
	[tilespmem:v12+s13+$0x0] =	vst.idx.add.f32.msk vm2, v33  }
0xf3: {  	v26 =	vshll.u32 v15, $0x7;
	v11 =	vmov s31;
	v15 =	vor.u32 v7, v20;
	v25 =	vld [tilespmem:s18+$0xFFFFFE10]  }
0xf4: {  	vm0 =	vgt.s32 v24, $0x0;
	v13 =	vor.u32 v7, v26;
	vm1 =	vgt.s32 v11, $0x0;
	v38 =	vld [tilespmem:s18+$0x10]  }
0xf5: {  	v10 =	vnsel vm0, $0x0, v24;
	vm0 =	vlt.u32 v24, $0x140;
	v24 =	vnsel vm1, $0x0, v11;
	[tilespmem:v32+s13+$0x0] =	vst.idx.add.f32.msk vm7, v28  }
0xf6: {  	v24 =	vmin.u32 v24, $0x13F;
	[tilespmem:v14+s13+$0x0] =	vst.idx.add.f32.msk vm6, v29  }
0xf7: {  	v29 =	vshll.u32 v24, $0x7;
	v24 =	vor.u32 v44, v18;
	v22 =	vld [tilespmem:s18+$0x1C0]  }
0xf8: {  	v23 =	vor.u32 v46, v21;
	[tilespmem:v15+s13+$0x0] =	vst.idx.add.f32.msk vm5, v30  }
0xf9: {  	v10 =	vmin.u32 v10, $0x13F;
	[tilespmem:v13+s13+$0x0] =	vst.idx.add.f32.msk vm4, v31  }
0xfa: {  	v28 =	vshll.u32 v10, $0x7;
	v2 =	vld [tilespmem:s18+$0xFFFFFE90]  }
0xfb: {  	vm1 =	vlt.u32 v11, $0x140;
	v9 =	vor.u32 v7, v28;
	v36 =	vld [tilespmem:s18+$0xFFFFFF90]  }
0xfc: {  	v10 =	vor.u32 v7, v29;
	[tilespmem:v24+s13+$0x0] =	vst.idx.add.f32.msk vm3, v25  }
0xfd: {  	v3 =	vor.u32 v44, v19;
	[tilespmem:v23+s13+$0x0] =	vst.idx.add.f32.msk vm7, v22  }
0xfe: {  	v23 =	vor.u32 v41, v21;
	v22 =	vld [tilespmem:s18+$0x1D0]  }
0xff: {  	v25 =	vld [tilespmem:s18+$0xFFFFFF10]  }
0x100: {  	v37 =	vor.u32 v44, v26;
	[tilespmem:v9+s13+$0x0] =	vst.idx.add.f32.msk vm0, v34  }
0x101: {  	[tilespmem:v10+s13+$0x0] =	vst.idx.add.f32.msk vm1, v35  }
0x102: {  	v24 =	vor.u32 v44, v20;
	[tilespmem:v3+s13+$0x0] =	vst.idx.add.f32.msk vm6, v2  }
0x103: {  	[tilespmem:v23+s13+$0x0] =	vst.idx.add.f32.msk vm7, v22  }
0x104: {  	v23 =	vor.u32 v42, v21;
	v22 =	vld [tilespmem:s18+$0x1E0]  }
0x105: {  	[tilespmem:v37+s13+$0x0] =	vst.idx.add.f32.msk vm4, v36  }
0x106: {  	v45 =	vor.u32 v44, v29;
	v47 =	vld [tilespmem:s18+$0x110]  }
0x107: {  	[tilespmem:v24+s13+$0x0] =	vst.idx.add.f32.msk vm5, v25  }
0x108: {  	v24 =	vld [tilespmem:s18+$0x90]  }
0x109: {  	[tilespmem:v23+s13+$0x0] =	vst.idx.add.f32.msk vm7, v22;
	v23 =	vor.u32 v44, v28  }
0x10a: {  	v49 =	vld [tilespmem:s18+$0xFFFFFFA0]  }
0x10b: {  	[tilespmem:v45+s13+$0x0] =	vst.idx.add.f32.msk vm1, v47;
	v22 =	vor.u32 v44, v27  }
0x10c: {  	v51 =	vld [tilespmem:s18+$0x120]  }
0x10d: {  	v21 =	vor.u32 v43, v21;
	v25 =	vld [tilespmem:s18+$0x1F0]  }
0x10e: {  	[tilespmem:v23+s13+$0x0] =	vst.idx.add.f32.msk vm0, v24  }
0x10f: {  	v23 =	vor.u32 v39, v19;
	v24 =	vld [tilespmem:s18+$0xFFFFFEA0]  }
0x110: {  	[tilespmem:v22+s13+$0x0] =	vst.idx.add.f32.msk vm2, v38  }
0x111: {  	v22 =	vld [tilespmem:s18+$0xFFFFFE20]  }
0x112: {  	[tilespmem:v21+s13+$0x0] =	vst.idx.add.f32.msk vm7, v25;
	v21 =	vor.u32 v39, v18  }
0x113: {  	v25 =	vld [tilespmem:s18+$0xFFFFFF20]  }
0x114: {  	v48 =	vor.u32 v39, v20;
	[tilespmem:v23+s13+$0x0] =	vst.idx.add.f32.msk vm6, v24  }
0x115: {  	v23 =	vor.u32 v39, v28;
	v24 =	vld [tilespmem:s18+$0xA0]  }
0x116: {  	[tilespmem:v17+s14+$0x0] =	vst.idx.add.f32.msk vm7, v54  }
0x117: {  	[tilespmem:v21+s13+$0x0] =	vst.idx.add.f32.msk vm3, v22;
	v21 =	vor.u32 v39, v26  }
0x118: {  	v50 =	vor.u32 v39, v27;
	v22 =	vld [tilespmem:s18+$0x20]  }
0x119: {  	[tilespmem:v48+s13+$0x0] =	vst.idx.add.f32.msk vm5, v25  }
0x11a: {  	v25 =	vor.u32 v39, v29;
	[tilespmem:v23+s13+$0x0] =	vst.idx.add.f32.msk vm0, v24  }
0x11b: {  	v24 =	vld [tilespmem:s18+$0xFFFFFEB0]  }
0x11c: {  	[tilespmem:v21+s13+$0x0] =	vst.idx.add.f32.msk vm4, v49  }
0x11d: {  	v23 =	vor.u32 v40, v19;
	[tilespmem:v50+s13+$0x0] =	vst.idx.add.f32.msk vm2, v22  }
0x11e: {  	v22 =	vld [tilespmem:s18+$0xFFFFFE30]  }
0x11f: {  	[tilespmem:v25+s13+$0x0] =	vst.idx.add.f32.msk vm1, v51  }
0x120: {  	v21 =	vor.u32 v40, v18;
	v25 =	vld [tilespmem:s18+$0xFFFFFF30]  }
0x121: {  	v31 =	vld [tilespmem:s18+$0xFFFFFFB0]  }
0x122: {  	v52 =	vor.u32 v40, v20;
	[tilespmem:v23+s13+$0x0] =	vst.idx.add.f32.msk vm6, v24  }
0x123: {  	v23 =	vor.u32 v40, v28;
	v24 =	vld [tilespmem:s18+$0xB0]  }
0x124: {  	v55 =	vld [tilespmem:s18+$0x130]  }
0x125: {  	[tilespmem:v21+s13+$0x0] =	vst.idx.add.f32.msk vm3, v22;
	v21 =	vor.u32 v40, v26  }
0x126: {  	v53 =	vor.u32 v40, v27;
	v22 =	vld [tilespmem:s18+$0x30]  }
0x127: {  	[tilespmem:v52+s13+$0x0] =	vst.idx.add.f32.msk vm5, v25  }
0x128: {  	v25 =	vor.u32 v40, v29;
	[tilespmem:v23+s13+$0x0] =	vst.idx.add.f32.msk vm0, v24  }
0x129: {  	v24 =	vld [tilespmem:s18+$0xFFFFFEC0]  }
0x12a: {  	[tilespmem:v21+s13+$0x0] =	vst.idx.add.f32.msk vm4, v31  }
0x12b: {  	v23 =	vor.u32 v46, v19;
	[tilespmem:v53+s13+$0x0] =	vst.idx.add.f32.msk vm2, v22  }
0x12c: {  	v22 =	vld [tilespmem:s18+$0xFFFFFE40]  }
0x12d: {  	[tilespmem:v25+s13+$0x0] =	vst.idx.add.f32.msk vm1, v55  }
0x12e: {  	v21 =	vor.u32 v46, v18;
	v25 =	vld [tilespmem:s18+$0xFFFFFF40]  }
0x12f: {  	v31 =	vld [tilespmem:s18+$0xFFFFFFC0]  }
0x130: {  	v56 =	vor.u32 v46, v20;
	[tilespmem:v23+s13+$0x0] =	vst.idx.add.f32.msk vm6, v24  }
0x131: {  	v23 =	vor.u32 v46, v28;
	v24 =	vld [tilespmem:s18+$0xC0]  }
0x132: {  	v58 =	vld [tilespmem:s18+$0x140]  }
0x133: {  	[tilespmem:v21+s13+$0x0] =	vst.idx.add.f32.msk vm3, v22;
	v21 =	vor.u32 v46, v26  }
0x134: {  	v57 =	vor.u32 v46, v27;
	v22 =	vld [tilespmem:s18+$0x40]  }
0x135: {  	[tilespmem:v56+s13+$0x0] =	vst.idx.add.f32.msk vm5, v25  }
0x136: {  	v25 =	vor.u32 v46, v29;
	[tilespmem:v23+s13+$0x0] =	vst.idx.add.f32.msk vm0, v24  }
0x137: {  	v24 =	vld [tilespmem:s18+$0xFFFFFED0]  }
0x138: {  	[tilespmem:v21+s13+$0x0] =	vst.idx.add.f32.msk vm4, v31  }
0x139: {  	[tilespmem:v57+s13+$0x0] =	vst.idx.add.f32.msk vm2, v22  }
0x13a: {  	v23 =	vor.u32 v41, v19;
	v22 =	vld [tilespmem:s18+$0xFFFFFE50]  }
0x13b: {  	[tilespmem:v25+s13+$0x0] =	vst.idx.add.f32.msk vm1, v58  }
0x13c: {  	v21 =	vor.u32 v41, v18;
	v25 =	vld [tilespmem:s18+$0xFFFFFF50]  }
0x13d: {  	v31 =	vld [tilespmem:s18+$0xFFFFFFD0]  }
0x13e: {  	v59 =	vor.u32 v41, v20;
	v61 =	vld [tilespmem:s18+$0x150]  }
0x13f: {  	[tilespmem:v23+s13+$0x0] =	vst.idx.add.f32.msk vm6, v24  }
0x140: {  	v23 =	vor.u32 v41, v28;
	v24 =	vld [tilespmem:s18+$0xD0]  }
0x141: {  	[tilespmem:v21+s13+$0x0] =	vst.idx.add.f32.msk vm3, v22  }
0x142: {  	v21 =	vor.u32 v41, v26;
	v22 =	vld [tilespmem:s18+$0x50]  }
0x143: {  	v60 =	vor.u32 v41, v27;
	[tilespmem:v59+s13+$0x0] =	vst.idx.add.f32.msk vm5, v25  }
0x144: {  	v62 =	vld [tilespmem:s18+$0xFFFFFF60]  }
0x145: {  	v25 =	vor.u32 v41, v29;
	[tilespmem:v23+s13+$0x0] =	vst.idx.add.f32.msk vm0, v24  }
0x146: {  	v24 =	vld [tilespmem:s18+$0xFFFFFEE0]  }
0x147: {  	[tilespmem:v21+s13+$0x0] =	vst.idx.add.f32.msk vm4, v31  }
0x148: {  	[tilespmem:v60+s13+$0x0] =	vst.idx.add.f32.msk vm2, v22  }
0x149: {  	v21 =	vor.u32 v42, v18;
	v22 =	vld [tilespmem:s18+$0xFFFFFE60]  }
0x14a: {  	v63 =	vor.u32 v42, v26;
	v23 =	vor.u32 v42, v19;
	[tilespmem:v25+s13+$0x0] =	vst.idx.add.f32.msk vm1, v61  }
0x14b: {  	v35 =	vor.u32 v43, v20;
	v25 =	vor.u32 v42, v20;
	v20 =	vor.u32 v43, v26;
	v26 =	vld [tilespmem:s18+$0xE0]  }
0x14c: {  	v31 =	vld [tilespmem:s18+$0xFFFFFFE0]  }
0x14d: {  	v33 =	vld [tilespmem:s18+$0x60]  }
0x14e: {  	[tilespmem:v21+s13+$0x0] =	vst.idx.add.f32.msk vm3, v22;
	v21 =	vor.u32 v42, v27  }
0x14f: {  	[tilespmem:v23+s13+$0x0] =	vst.idx.add.f32.msk vm6, v24  }
0x150: {  	[tilespmem:v25+s13+$0x0] =	vst.idx.add.f32.msk vm5, v62  }
0x151: {  	v34 =	vor.u32 v43, v27;
	v17 =	vor.u32 v43, v29;
	v24 =	vor.u32 v42, v29;
	v27 =	vld [tilespmem:s18+$0x160]  }
0x152: {  	v23 =	vor.u32 v43, v19;
	v22 =	vor.u32 v43, v18;
	[tilespmem:v63+s13+$0x0] =	vst.idx.add.f32.msk vm4, v31  }
0x153: {  	s19 =	simm.s32 $0x0;
	s20 =	simm.s32 $0xC;
	v25 =	vor.u32 v42, v28;
	v18 =	vor.u32 v43, v28;
	[tilespmem:v21+s13+$0x0] =	vst.idx.add.f32.msk vm2, v33  }
.LBB2_9:
0x154: {  	v28 =	vld [tilespmem:s20+$0x3]  }
0x155: {  	v29 =	vld [tilespmem:s20+$0xFFFFFFFD]  }
0x156: {  	v30 =	vld [tilespmem:s20+$0xFFFFFFFE]  }
0x157: {  	v31 =	vld [tilespmem:s20+$0xFFFFFFFF]  }
0x158: {  	v32 =	vld [tilespmem:s20+$0x0]  }
0x159: {  	v33 =	vld [tilespmem:s20+$0x1]  }
0x15a: {  	[tilespmem:v25+s13+$0x0] =	vst.idx.add.f32.msk vm0, v26  }
0x15b: {  	v25 =	vld [tilespmem:s18+$0xFFFFFEF0];
	(v2sf) =	vpush v28, $0x0  }
0x15c: {  	v26 =	vld [tilespmem:s18+$0xFFFFFF70];
	(v2sf) =	vpush v29, $0x0  }
0x15d: {  	v28 =	vld [tilespmem:s20+$0x2];
	(v2sf) =	vpush v30, $0x0  }
0x15e: {  	[tilespmem:v24+s13+$0x0] =	vst.idx.add.f32.msk vm1, v27;
	(v2sf) =	vpush v31, $0x0  }
0x15f: {  	v24 =	vld [tilespmem:s18+$0xFFFFFE70];
	(v2sf) =	vpush v32, $0x0  }
0x160: {  	v29 =	vld [tilespmem:s20+$0xFFFFFFFC];
	(v2sf) =	vpush v33, $0x0  }
0x161: {  	v27 =	vld [tilespmem:s18+$0xFFFFFFF0]  }
0x162: {  	v48 =	vld [tilespmem:s18+$0x170]  }
0x163: {  	[tilespmem:v23+s13+$0x0] =	vst.idx.add.f32.msk vm6, v25  }
0x164: {  	[tilespmem:v35+s13+$0x0] =	vst.idx.add.f32.msk vm5, v26;
	(v2sf) =	vpush v28, $0x0  }
0x165: {  	[tilespmem:v22+s13+$0x0] =	vst.idx.add.f32.msk vm3, v24;
	(v2sf) =	vpush v29, $0x0  }
0x166: {  	[tilespmem:v14+s14+$0x0] =	vst.idx.add.f32.msk vm6, v54  }
0x167: {  	[tilespmem:v15+s14+$0x0] =	vst.idx.add.f32.msk vm5, v54  }
0x168: {  	[tilespmem:v20+s13+$0x0] =	vst.idx.add.f32.msk vm4, v27  }
0x169: {  	v28 =	vld [tilespmem:s18+$0x70]  }
0x16a: {  	[tilespmem:v8+s14+$0x0] =	vst.idx.add.f32.msk vm3, v54;
	s21 =	spop (v2sf)  }
0x16b: {  	[tilespmem:v13+s14+$0x0] =	vst.idx.add.f32.msk vm4, v54;
	s22 =	spop (v2sf)  }
0x16c: {  	v29 =	vld [tilespmem:s18+$0xF0];
	s18 =	sadd.s32 $0x400, s18;
	s21 =	ssub.s32 s21, s4;
	s30 =	spop (v2sf)  }
0x16d: {  	v0 =	vimm.f32 $1.000000000e+00;
	v24 =	vld [tilespmem:s18+$0xFFFFFE00];
	s22 =	ssub.s32 s22, s4;
	v14 =	vmov s21;
	s31 =	spop (v2sf)  }
0x16e: {  	v49 =	vld [tilespmem:s18+$0xFFFFFF00];
	v21 =	vmov s22;
	s21 =	ssub.s32 s30, s4;
	vm5 =	vgt.s32 v14, $0x0;
	vm7 =	vlt.u32 v14, $0x140;
	s24 =	spop (v2sf)  }
0x16f: {  	v33 =	vld [tilespmem:s18+$0xFFFFFF80];
	vm3 =	vgt.s32 v21, $0x0;
	v20 =	vmov s21;
	s23 =	ssub.s32 s31, s4;
	v15 =	vnsel vm5, $0x0, v14;
	s26 =	spop (v2sf)  }
0x170: {  	[tilespmem:v34+s13+$0x0] =	vst.idx.add.f32.msk vm2, v28;
	vm4 =	vgt.s32 v20, $0x0;
	v22 =	vmov s23;
	v13 =	vmin.u32 v15, $0x13F;
	s28 =	ssub.s32 s26, s4  }
0x171: {  	[tilespmem:v12+s14+$0x0] =	vst.idx.add.f32.msk vm2, v54;
	s25 =	ssub.s32 s24, s4;
	v14 =	vnsel vm3, $0x0, v21;
	v27 =	vshll.u32 v13, $0x7;
	v23 =	vmov s28  }
0x172: {  	v12 =	vld [tilespmem:s18+$0x180];
	v19 =	vmov s25;
	v26 =	vor.u32 v7, v27;
	vm6 =	vgt.s32 v23, $0x0  }
0x173: {  	v28 =	vld [tilespmem:s18+$0xFFFFFE80];
	s29 =	spop (v2sf);
	vm2 =	vgt.s32 v22, $0x0;
	v15 =	vnsel vm4, $0x0, v20;
	v52 =	vnsel vm6, $0x0, v23  }
0x174: {  	v34 =	vld [tilespmem:s18+$0x0];
	v14 =	vmin.u32 v14, $0x13F;
	vm4 =	vlt.u32 v22, $0x140;
	s31 =	spop (v2sf);
	v35 =	vmin.u32 v52, $0x13F  }
0x175: {  	s30 =	ssub.s32 s29, s4;
	vm5 =	vgt.s32 v19, $0x0;
	v16 =	vnsel vm2, $0x0, v22;
	s22 =	ssub.s32 s31, s4;
	v59 =	vshll.u32 v35, $0x7;
	v35 =	vld [tilespmem:s18+$0x100]  }
0x176: {  	v55 =	vshll.u32 v14, $0x7;
	v25 =	vmov s30;
	v13 =	vmov s22;
	[tilespmem:v17+s13+$0x0] =	vst.idx.add.f32.msk vm1, v48  }
0x177: {  	vm3 =	vgt.s32 v25, $0x0;
	vm6 =	vlt.u32 v21, $0x140;
	vm8 =	vgt.s32 v13, $0x0;
	[tilespmem:v26+s13+$0x0] =	vst.idx.add.f32.msk vm7, v12  }
0x178: {  	v1 =	vor.u32 v7, v55;
	v36 =	vnsel vm3, $0x0, v25;
	v50 =	vnsel vm8, $0x0, v13;
	[tilespmem:v10+s14+$0x0] =	vst.idx.add.f32.msk vm1, v0  }
0x179: {  	v38 =	vor.u32 v44, v27;
	v36 =	vmin.u32 v36, $0x13F;
	v32 =	vmin.u32 v50, $0x13F;
	v37 =	vld [tilespmem:s18+$0x190]  }
0x17a: {  	v60 =	vshll.u32 v36, $0x7;
	vm1 =	vlt.u32 v25, $0x140;
	v54 =	vshll.u32 v32, $0x7;
	v32 =	vld [tilespmem:s18+$0x80]  }
0x17b: {  	v51 =	vnsel vm5, $0x0, v19;
	vm5 =	vlt.u32 v20, $0x140;
	[tilespmem:v18+s13+$0x0] =	vst.idx.add.f32.msk vm0, v29;
	v20 =	vor.u32 v7, v60  }
0x17c: {  	vm3 =	vlt.u32 v13, $0x140;
	v12 =	vmin.u32 v15, $0x13F;
	v15 =	vmin.u32 v16, $0x13F;
	[tilespmem:v9+s14+$0x0] =	vst.idx.add.f32.msk vm0, v0  }
0x17d: {  	v56 =	vshll.u32 v12, $0x7;
	v8 =	vor.u32 v7, v54;
	v13 =	vor.u32 v42, v54;
	[tilespmem:v1+s13+$0x0] =	vst.idx.add.f32.msk vm6, v28  }
0x17e: {  	v16 =	vmin.u32 v51, $0x13F;
	v57 =	vshll.u32 v15, $0x7;
	v15 =	vor.u32 v7, v56;
	[tilespmem:$0x1FFB0] =	vst v13;
	v13 =	vld [tilespmem:s18+$0xFFFFFE90]  }
0x17f: {  	vm2 =	vlt.u32 v19, $0x140;
	v58 =	vshll.u32 v16, $0x7;
	v5 =	vor.u32 v7, v57;
	[tilespmem:v38+s13+$0x0] =	vst.idx.add.f32.msk vm7, v37  }
0x180: {  	v18 =	vor.u32 v7, v59;
	v4 =	vor.u32 v7, v58;
	vm0 =	vlt.u32 v23, $0x140;
	[tilespmem:v20+s13+$0x0] =	vst.idx.add.f32.msk vm1, v35  }
0x181: {  	v3 =	vmov v18;
	v29 =	vld [tilespmem:s18+$0x1A0]  }
0x182: {  	[tilespmem:v8+s13+$0x0] =	vst.idx.add.f32.msk vm3, v24  }
0x183: {  	[tilespmem:v15+s13+$0x0] =	vst.idx.add.f32.msk vm5, v49  }
0x184: {  	[tilespmem:v5+s13+$0x0] =	vst.idx.add.f32.msk vm4, v33  }
0x185: {  	v53 =	vor.u32 v39, v27;
	[tilespmem:v4+s13+$0x0] =	vst.idx.add.f32.msk vm2, v34  }
0x186: {  	v62 =	vor.u32 v44, v55;
	v14 =	vor.u32 v42, v55;
	[tilespmem:v3+s13+$0x0] =	vst.idx.add.f32.msk vm0, v32  }
0x187: {  	[tilespmem:$0x1FFC0] =	vst v14;
	v36 =	vor.u32 v39, v55;
	v14 =	vor.u32 v41, v60;
	v61 =	vor.u32 v44, v54;
	v11 =	vld [tilespmem:s18+$0xFFFFFE10]  }
0x188: {  	v30 =	vor.u32 v39, v54;
	v47 =	vor.u32 v40, v54;
	v12 =	vor.u32 v41, v54;
	[tilespmem:$0x1FFA0] =	vst v14;
	v14 =	vld [tilespmem:s18+$0xFFFFFF10]  }
0x189: {  	v22 =	vor.u32 v43, v54;
	[tilespmem:$0x1FF40] =	vst v12;
	v12 =	vor.u32 v41, v55;
	v33 =	vor.u32 v46, v54;
	v54 =	vld [tilespmem:s18+$0xFFFFFF90]  }
0x18a: {  	v51 =	vor.u32 v40, v55;
	v23 =	vor.u32 v43, v55;
	[tilespmem:$0x1FF50] =	vst v12;
	v38 =	vor.u32 v46, v55;
	v55 =	vld [tilespmem:s18+$0x10]  }
0x18b: {  	v63 =	vor.u32 v44, v56;
	v12 =	vor.u32 v41, v56;
	[tilespmem:v62+s13+$0x0] =	vst.idx.add.f32.msk vm6, v13  }
0x18c: {  	v21 =	vor.u32 v44, v57;
	[tilespmem:$0x1FF60] =	vst v12;
	v62 =	vld [tilespmem:s18+$0xFFFFFEA0]  }
0x18d: {  	v0 =	vor.u32 v44, v58;
	v12 =	vor.u32 v41, v57;
	[tilespmem:v53+s13+$0x0] =	vst.idx.add.f32.msk vm7, v29  }
0x18e: {  	[tilespmem:$0x1FF70] =	vst v12;
	v17 =	vld [tilespmem:s18+$0x1B0]  }
0x18f: {  	[tilespmem:v61+s13+$0x0] =	vst.idx.add.f32.msk vm3, v11  }
0x190: {  	[tilespmem:v63+s13+$0x0] =	vst.idx.add.f32.msk vm5, v14  }
0x191: {  	[tilespmem:v21+s13+$0x0] =	vst.idx.add.f32.msk vm4, v54  }
0x192: {  	[tilespmem:v0+s13+$0x0] =	vst.idx.add.f32.msk vm2, v55  }
0x193: {  	v18 =	vor.u32 v40, v27;
	v55 =	vld [tilespmem:$0x1FF70]  }
0x194: {  	v61 =	vld [tilespmem:s18+$0xFFFFFE20]  }
0x195: {  	v63 =	vld [tilespmem:s18+$0xFFFFFF20]  }
0x196: {  	v16 =	vor.u32 v39, v56;
	[tilespmem:v36+s13+$0x0] =	vst.idx.add.f32.msk vm6, v62  }
0x197: {  	v14 =	vmov v1;
	v1 =	vld [tilespmem:s18+$0xFFFFFEB0]  }
0x198: {  	[tilespmem:v18+s13+$0x0] =	vst.idx.add.f32.msk vm7, v17  }
0x199: {  	v17 =	vld [tilespmem:s18+$0x1C0]  }
0x19a: {  	v18 =	vor.u32 v46, v27;
	[tilespmem:v30+s13+$0x0] =	vst.idx.add.f32.msk vm3, v61  }
0x19b: {  	[tilespmem:v16+s13+$0x0] =	vst.idx.add.f32.msk vm5, v63  }
0x19c: {  	v0 =	vld [tilespmem:s18+$0xFFFFFE30]  }
0x19d: {  	[tilespmem:v51+s13+$0x0] =	vst.idx.add.f32.msk vm6, v1  }
0x19e: {  	v1 =	vld [tilespmem:s18+$0xFFFFFEC0]  }
0x19f: {  	[tilespmem:v18+s13+$0x0] =	vst.idx.add.f32.msk vm7, v17  }
0x1a0: {  	v10 =	vmovc v20;
	v52 =	vor.u32 v40, v57;
	v37 =	vor.u32 v46, v57;
	v18 =	vor.u32 v42, v56;
	v17 =	vld [tilespmem:s18+$0x1D0]  }
0x1a1: {  	v20 =	vor.u32 v43, v57;
	v29 =	vor.u32 v39, v57;
	[tilespmem:$0x1FFD0] =	vst v18;
	v18 =	vor.u32 v42, v57;
	v57 =	vld [tilespmem:s18+$0x90]  }
0x1a2: {  	v12 =	vor.u32 v41, v58;
	[tilespmem:v47+s13+$0x0] =	vst.idx.add.f32.msk vm3, v0  }
0x1a3: {  	v7 =	vor.u32 v39, v58;
	v45 =	vor.u32 v46, v58;
	v49 =	vor.u32 v40, v58;
	[tilespmem:$0x1FF80] =	vst v12;
	v0 =	vld [tilespmem:s18+$0xFFFFFE40]  }
0x1a4: {  	v12 =	vor.u32 v41, v59;
	v34 =	vor.u32 v43, v58;
	[tilespmem:$0x1FFE0] =	vst v18;
	v18 =	vor.u32 v42, v58;
	v58 =	vld [tilespmem:$0x1FFA0]  }
0x1a5: {  	[tilespmem:$0x1FF90] =	vst v12;
	v12 =	vor.u32 v41, v27;
	v61 =	vld [tilespmem:$0x1FFD0]  }
0x1a6: {  	[tilespmem:v38+s13+$0x0] =	vst.idx.add.f32.msk vm6, v1  }
0x1a7: {  	v9 =	vor.u32 v44, v59;
	v62 =	vld [tilespmem:$0x1FFE0]  }
0x1a8: {  	[tilespmem:$0x1FFF0] =	vst v18;
	v1 =	vld [tilespmem:s18+$0xFFFFFED0]  }
0x1a9: {  	v2 =	vor.u32 v44, v60;
	v63 =	vld [tilespmem:$0x1FFF0]  }
0x1aa: {  	v6 =	vor.u32 v39, v60;
	v50 =	vor.u32 v40, v60;
	[tilespmem:v12+s13+$0x0] =	vst.idx.add.f32.msk vm7, v17  }
0x1ab: {  	v28 =	vor.u32 v46, v60;
	v24 =	vor.u32 v42, v60;
	v17 =	vor.u32 v43, v60;
	v60 =	vld [tilespmem:s18+$0x110]  }
0x1ac: {  	[tilespmem:v9+s13+$0x0] =	vst.idx.add.f32.msk vm0, v57  }
0x1ad: {  	v9 =	vld [tilespmem:s18+$0xFFFFFFA0]  }
0x1ae: {  	v57 =	vld [tilespmem:$0x1FF90]  }
0x1af: {  	v12 =	vld [tilespmem:s18+$0x1E0]  }
0x1b0: {  	v48 =	vor.u32 v40, v56;
	[tilespmem:v33+s13+$0x0] =	vst.idx.add.f32.msk vm3, v0  }
0x1b1: {  	v31 =	vor.u32 v46, v56;
	v35 =	vor.u32 v43, v56;
	v56 =	vor.u32 v42, v27;
	v0 =	vld [tilespmem:s18+$0xFFFFFE50]  }
0x1b2: {  	[tilespmem:v2+s13+$0x0] =	vst.idx.add.f32.msk vm1, v60  }
0x1b3: {  	[tilespmem:v29+s13+$0x0] =	vst.idx.add.f32.msk vm4, v9  }
0x1b4: {  	v2 =	vld [tilespmem:s18+$0xFFFFFF30]  }
0x1b5: {  	v60 =	vld [tilespmem:$0x1FFC0]  }
0x1b6: {  	[tilespmem:v56+s13+$0x0] =	vst.idx.add.f32.msk vm7, v12  }
0x1b7: {  	v13 =	vld [tilespmem:s18+$0x120]  }
0x1b8: {  	v36 =	vld [tilespmem:s18+$0xFFFFFFB0]  }
0x1b9: {  	v56 =	vld [tilespmem:$0x1FF80]  }
0x1ba: {  	v11 =	vld [tilespmem:s18+$0x1F0]  }
0x1bb: {  	v12 =	vor.u32 v43, v27;
	[tilespmem:v48+s13+$0x0] =	vst.idx.add.f32.msk vm5, v2  }
0x1bc: {  	[tilespmem:v6+s13+$0x0] =	vst.idx.add.f32.msk vm1, v13  }
0x1bd: {  	[tilespmem:v52+s13+$0x0] =	vst.idx.add.f32.msk vm4, v36  }
0x1be: {  	v2 =	vld [tilespmem:s18+$0xFFFFFF40]  }
0x1bf: {  	v52 =	vld [tilespmem:$0x1FF50]  }
0x1c0: {  	[tilespmem:v12+s13+$0x0] =	vst.idx.add.f32.msk vm7, v11  }
0x1c1: {  	v11 =	vld [tilespmem:s18+$0x20]  }
0x1c2: {  	v12 =	vld [tilespmem:s18+$0xA0]  }
0x1c3: {  	v19 =	vor.u32 v39, v59;
	v6 =	vld [tilespmem:s18+$0x130]  }
0x1c4: {  	v54 =	vimm.f32 $1.000000000e+00;
	v9 =	vmov v3;
	v3 =	vld [tilespmem:s18+$0xFFFFFFC0]  }
0x1c5: {  	[tilespmem:v26+s14+$0x0] =	vst.idx.add.f32.msk vm7, v54  }
0x1c6: {  	[tilespmem:v31+s13+$0x0] =	vst.idx.add.f32.msk vm5, v2  }
0x1c7: {  	[tilespmem:v7+s13+$0x0] =	vst.idx.add.f32.msk vm2, v11  }
0x1c8: {  	[tilespmem:v19+s13+$0x0] =	vst.idx.add.f32.msk vm0, v12  }
0x1c9: {  	[tilespmem:v50+s13+$0x0] =	vst.idx.add.f32.msk vm1, v6  }
0x1ca: {  	[tilespmem:v37+s13+$0x0] =	vst.idx.add.f32.msk vm4, v3  }
0x1cb: {  	v2 =	vld [tilespmem:s18+$0xFFFFFF50]  }
0x1cc: {  	v11 =	vld [tilespmem:$0x1FF40]  }
0x1cd: {  	v12 =	vmov v4;
	v4 =	vld [tilespmem:s18+$0x30]  }
0x1ce: {  	v13 =	vmov v5;
	v5 =	vld [tilespmem:s18+$0xB0]  }
0x1cf: {  	v53 =	vor.u32 v40, v59;
	v6 =	vld [tilespmem:s18+$0x140]  }
0x1d0: {  	v3 =	vld [tilespmem:s18+$0xFFFFFFD0]  }
0x1d1: {  	[tilespmem:v52+s13+$0x0] =	vst.idx.add.f32.msk vm6, v1  }
0x1d2: {  	v1 =	vld [tilespmem:s18+$0xFFFFFEE0]  }
0x1d3: {  	[tilespmem:v49+s13+$0x0] =	vst.idx.add.f32.msk vm2, v4  }
0x1d4: {  	[tilespmem:v53+s13+$0x0] =	vst.idx.add.f32.msk vm0, v5  }
0x1d5: {  	[tilespmem:v28+s13+$0x0] =	vst.idx.add.f32.msk vm1, v6  }
0x1d6: {  	v53 =	vld [tilespmem:$0x1FF60]  }
0x1d7: {  	[tilespmem:v55+s13+$0x0] =	vst.idx.add.f32.msk vm4, v3  }
0x1d8: {  	v4 =	vld [tilespmem:s18+$0x40]  }
0x1d9: {  	v5 =	vld [tilespmem:s18+$0xC0]  }
0x1da: {  	v6 =	vld [tilespmem:s18+$0x150]  }
0x1db: {  	v32 =	vor.u32 v46, v59;
	v3 =	vld [tilespmem:s18+$0xFFFFFFE0]  }
0x1dc: {  	[tilespmem:v11+s13+$0x0] =	vst.idx.add.f32.msk vm3, v0  }
0x1dd: {  	[tilespmem:v60+s13+$0x0] =	vst.idx.add.f32.msk vm6, v1  }
0x1de: {  	v25 =	vor.u32 v42, v59;
	v18 =	vor.u32 v43, v59;
	v59 =	vld [tilespmem:s18+$0xFFFFFE60]  }
0x1df: {  	[tilespmem:v45+s13+$0x0] =	vst.idx.add.f32.msk vm2, v4  }
0x1e0: {  	[tilespmem:v32+s13+$0x0] =	vst.idx.add.f32.msk vm0, v5  }
0x1e1: {  	v5 =	vld [tilespmem:s18+$0xD0]  }
0x1e2: {  	[tilespmem:v58+s13+$0x0] =	vst.idx.add.f32.msk vm1, v6  }
0x1e3: {  	v4 =	vld [tilespmem:s18+$0x50]  }
0x1e4: {  	[tilespmem:v53+s13+$0x0] =	vst.idx.add.f32.msk vm5, v2  }
0x1e5: {  	v2 =	vld [tilespmem:s18+$0xFFFFFF60]  }
0x1e6: {  	[tilespmem:v57+s13+$0x0] =	vst.idx.add.f32.msk vm0, v5  }
0x1e7: {  	v5 =	vld [tilespmem:$0x1FFB0]  }
0x1e8: {  	[tilespmem:v56+s13+$0x0] =	vst.idx.add.f32.msk vm2, v4  }
0x1e9: {  	s19 =	sadd.s32 $0x8, s19;
	v4 =	vld [tilespmem:s18+$0x60]  }
0x1ea: {  	p0 =	slt.u32 s19, $0x78;
	[tilespmem:v62+s13+$0x0] =	vst.idx.add.f32.msk vm4, v3  }
.Ltmp7:
0x1eb: {  	v27 =	vld [tilespmem:s18+$0x160];
	(pc) =	sbr.rel @p0 .LBB2_9-.Ltmp7, $4  }
0x1ec: {  	v26 =	vld [tilespmem:s18+$0xE0]  }
0x1ed: {  	[tilespmem:v61+s13+$0x0] =	vst.idx.add.f32.msk vm5, v2  }
0x1ee: {  	[tilespmem:v63+s13+$0x0] =	vst.idx.add.f32.msk vm2, v4  }
0x1ef: {  	s20 =	sadd.s32 $0x8, s20;
	v7 =	vlaneseq.u32;
	[tilespmem:v5+s13+$0x0] =	vst.idx.add.f32.msk vm3, v59  }
0x1f0: {  	_ =	sdelay $0x4  }
0x1f1: {  	[tilespmem:v24+s13+$0x0] =	vst.idx.add.f32.msk vm1, v27  }
0x1f2: {  	v0 =	vld [tilespmem:s18+$0xFFFFFE70]  }
0x1f3: {  	v1 =	vld [tilespmem:s18+$0xFFFFFEF0]  }
0x1f4: {  	v2 =	vld [tilespmem:s18+$0xFFFFFF70]  }
0x1f5: {  	v3 =	vld [tilespmem:s18+$0xFFFFFFF0]  }
0x1f6: {  	v4 =	vld [tilespmem:s18+$0x70]  }
0x1f7: {  	[tilespmem:v25+s13+$0x0] =	vst.idx.add.f32.msk vm0, v26  }
0x1f8: {  	v6 =	vld [tilespmem:s18+$0x170]  }
0x1f9: {  	v5 =	vld [tilespmem:s18+$0xF0]  }
0x1fa: {  	[tilespmem:v22+s13+$0x0] =	vst.idx.add.f32.msk vm3, v0  }
0x1fb: {  	[tilespmem:v23+s13+$0x0] =	vst.idx.add.f32.msk vm6, v1  }
0x1fc: {  	[tilespmem:v35+s13+$0x0] =	vst.idx.add.f32.msk vm5, v2  }
0x1fd: {  	[tilespmem:v20+s13+$0x0] =	vst.idx.add.f32.msk vm4, v3  }
0x1fe: {  	[tilespmem:v34+s13+$0x0] =	vst.idx.add.f32.msk vm2, v4  }
0x1ff: {  	[tilespmem:v8+s14+$0x0] =	vst.idx.add.f32.msk vm3, v54  }
0x200: {  	[tilespmem:v14+s14+$0x0] =	vst.idx.add.f32.msk vm6, v54  }
0x201: {  	s17 =	sadd.s32 $0x1, s17;
	[tilespmem:v15+s14+$0x0] =	vst.idx.add.f32.msk vm5, v54  }
0x202: {  	p0 =	sne.s32 s17, s16;
	[tilespmem:v13+s14+$0x0] =	vst.idx.add.f32.msk vm4, v54  }
.Ltmp8:
0x203: {  	[tilespmem:v12+s14+$0x0] =	vst.idx.add.f32.msk vm2, v54;
	(pc) =	sbr.rel @p0 .LBB2_8-.Ltmp8, $4  }
.Ltmp9:
0x204: {  	[tilespmem:v17+s13+$0x0] =	vst.idx.add.f32.msk vm1, v6;
	(pc) =	sbr.rel @!p0 .LBB2_11-.Ltmp9, $4  }
0x205: {  	[tilespmem:v18+s13+$0x0] =	vst.idx.add.f32.msk vm0, v5  }
0x206: {  	[tilespmem:v10+s14+$0x0] =	vst.idx.add.f32.msk vm1, v54  }
0x207: {  	[tilespmem:v9+s14+$0x0] =	vst.idx.add.f32.msk vm0, v54  }
0x208: {  	_ = 	snop  }
.LBB2_12:
0x209: {  	_ =	sfence.sel $0x180000  }
0x20a: {  	[bflag:$0x0] =	sbarrier.arrive $0xFFFF  }
0x20b: {  	p0 =	sne.s32 s0, $0x0;
	_ =	strace $0x9000004A  }
0x20c: {  	s0 =	sadd.s32 @!p0 $0x100000, s1;
	[bflag:$0x2] =	sbarrier.arrive $0xFFFF  }
0x20d: {  	[sflag:s0] =	ssyncadd.tile.s32 @!p0 $0x1;
	_ =	shalt  }
.Lfunc_end2:
_tile_overlayer_lowered:
.L_overlay_start_2:
0x20e: {  	(tag) =	ssettag $0x2  }
0x20f: {  	s0 =	rddreg [dreg:$0x0];
	s2 =	stileid.u32  }
0x210: {  	s1 =	rddreg [dreg:$0x1];
	p0 =	sne.s32 s2, $0x0  }
0x211: {  	s3 =	rddreg [dreg:$0x2];
	[bflag:$0x3] =	sbarrier.arrive $0xFFFF;
	s2 =	simm.s32 @!p0 $0x1C01  }
0x212: {  	[timem:s3], [sflag:s2] =	dma.local @!p0 [hbm:s0], s1  }
0x213: {  	s0 =	simm.s32 @!p0 $0x1  }
0x214: {  	_ =	swait.ge @!p0 [sflag:s0], s1  }
0x215: {  	s1 =	ssub.s32 @!p0 $0x0, s1;
	[sflag:s0] =	ssyncset.done @!p0 $0x0  }
0x216: {  	[sflag:s0] =	ssyncadd.s32 @!p0 s1  }
0x217: {  	[bflag:$0x3] =	sbarrier.arrive $0xFFFF  }
0x218: {  	_ =	shalt  }

</sc_bundles>
